<compile_context>
chip_gen: v7x
topology: tpu7x:2x2x1
jax: 0.10.2.dev20260603
libtpu: 0.0.44.dev20260713+nightly
codegen_flags: <defaults>
</compile_context>

<pallas_src>
import functools

import jax
import jax.numpy as jnp
from jax import lax
from jax.experimental import pallas as pl
from jax.experimental.pallas import tpu as pltpu
from jax.experimental.pallas import tpu_sc as plsc

_THRESH = 0.5
_NEG_POS_RATIO = 3.0
_B = 32
_P = 8732
_PPAD = 8960
_C = 81
_NOBJ = 8
_NVEC = _PPAD // 16
_MAXF_BITS = 0x7F7FFFFF


def _tc_body(scores_ref, locs_ref, boxes_ref, labels_ref, priors_ref,
             ce_ref, stats_ref):
    pcx = priors_ref[0, :]
    pcy = priors_ref[1, :]
    pw = priors_ref[2, :]
    ph = priors_ref[3, :]
    px1 = pcx - pw * 0.5
    py1 = pcy - ph * 0.5
    px2 = pcx + pw * 0.5
    py2 = pcy + ph * 0.5
    area_p = (px2 - px1) * (py2 - py1)

    bx = boxes_ref[0]
    bx1 = bx[:, 0:1]
    by1 = bx[:, 1:2]
    bx2 = bx[:, 2:3]
    by2 = bx[:, 3:4]
    area_b = (bx2 - bx1) * (by2 - by1)

    ltx = jnp.maximum(bx1, px1[None, :])
    lty = jnp.maximum(by1, py1[None, :])
    rbx = jnp.minimum(bx2, px2[None, :])
    rby = jnp.minimum(by2, py2[None, :])
    inter = jnp.clip(rbx - ltx, 0.0) * jnp.clip(rby - lty, 0.0)
    union = area_b + area_p[None, :] - inter
    ov = inter / union

    ofp = jnp.max(ov, axis=0)
    obj = jnp.argmax(ov, axis=0)

    oh = (obj[None, :] == lax.broadcasted_iota(jnp.int32, (_NOBJ, _P), 0))
    lab_col = labels_ref[0]
    lab = jnp.sum(jnp.where(oh, lab_col, 0), axis=0)
    lab = jnp.where(ofp < _THRESH, 0, lab)
    pos = lab != 0
    n_pos = jnp.sum(pos.astype(jnp.float32))

    gx1 = jnp.sum(jnp.where(oh, bx1, 0.0), axis=0)
    gy1 = jnp.sum(jnp.where(oh, by1, 0.0), axis=0)
    gx2 = jnp.sum(jnp.where(oh, bx2, 0.0), axis=0)
    gy2 = jnp.sum(jnp.where(oh, by2, 0.0), axis=0)

    gcx = (gx1 + gx2) * 0.5
    gcy = (gy1 + gy2) * 0.5
    gw = gx2 - gx1
    gh = gy2 - gy1
    t0 = (gcx - pcx) / (pw / 10.0)
    t1 = (gcy - pcy) / (ph / 10.0)
    t2 = jnp.log(gw / pw) * 5.0
    t3 = jnp.log(gh / ph) * 5.0

    l1 = (jnp.abs(locs_ref[0, 0, 0, :] - t0)
          + jnp.abs(locs_ref[1, 0, 0, :] - t1)
          + jnp.abs(locs_ref[2, 0, 0, :] - t2)
          + jnp.abs(locs_ref[3, 0, 0, :] - t3))
    loc_sum = jnp.sum(jnp.where(pos, l1, 0.0))

    s = scores_ref[:, 0, 0, :]
    m = jnp.max(s, axis=0)
    z = jnp.sum(jnp.exp(s - m[None, :]), axis=0)
    logz = m + jnp.log(z)
    s0 = s[0, :]

    onehot = (lab[None, :] ==
              lax.broadcasted_iota(jnp.int32, (_C, _P), 0))
    ts_all_sum = jnp.sum(jnp.where(onehot, s, 0.0))
    neg_s0_sum = jnp.sum(jnp.where(pos, 0.0, s0))
    logz_pos_sum = jnp.sum(jnp.where(pos, logz, 0.0))
    ce_pos_sum = logz_pos_sum - (ts_all_sum - neg_s0_sum)

    ce_neg = jnp.where(pos, 0.0, logz - s0)
    ce_ref[0, 0, :] = jnp.pad(ce_neg, (0, _PPAD - _P))

    lane = lax.broadcasted_iota(jnp.int32, (128,), 0)
    stats_ref[0, 0, :] = jnp.where(
        lane == 0, n_pos,
        jnp.where(lane == 1, ce_pos_sum,
                  jnp.where(lane == 2, loc_sum, 0.0)))


def _run_tc(scores_t, locs_t, boxes, labels3, priors_t):
    return pl.pallas_call(
        _tc_body,
        grid=(_B,),
        in_specs=[
            pl.BlockSpec((_C, 1, 1, _P), lambda b: (0, b, 0, 0)),
            pl.BlockSpec((4, 1, 1, _P), lambda b: (0, b, 0, 0)),
            pl.BlockSpec((1, _NOBJ, 4), lambda b: (b, 0, 0)),
            pl.BlockSpec((1, _NOBJ, 1), lambda b: (b, 0, 0)),
            pl.BlockSpec((4, _P), lambda b: (0, 0)),
        ],
        out_specs=[
            pl.BlockSpec((1, 1, _PPAD), lambda b: (b, 0, 0)),
            pl.BlockSpec((1, 1, 128), lambda b: (b, 0, 0)),
        ],
        out_shape=[
            jax.ShapeDtypeStruct((_B, 1, _PPAD), jnp.float32),
            jax.ShapeDtypeStruct((_B, 1, 128), jnp.float32),
        ],
        compiler_params=pltpu.CompilerParams(
            dimension_semantics=("arbitrary",)),
    )(scores_t, locs_t, boxes, labels3, priors_t)


@functools.cache
def _make_sc_hard():
    mesh = plsc.VectorSubcoreMesh(core_axis_name="c", subcore_axis_name="s")

    @functools.partial(
        pl.kernel,
        mesh=mesh,
        out_type=jax.ShapeDtypeStruct((_B, 16), jnp.float32),
        scratch_types=[
            pltpu.VMEM((_PPAD,), jnp.float32),
            pltpu.VMEM((128,), jnp.float32),
            pltpu.VMEM((16,), jnp.float32),
        ],
        compiler_params=pltpu.CompilerParams(needs_layout_passes=False),
    )
    def sc_hard(ce_hbm, stats_hbm, hard_hbm, ce_v, st_v, out_v):
        wid = lax.axis_index("s") * 2 + lax.axis_index("c")
        pltpu.sync_copy(ce_hbm.at[wid], ce_v)
        pltpu.sync_copy(stats_hbm.at[wid], st_v)

        npos = st_v[pl.ds(0, 16)][0]
        k_i = (_NEG_POS_RATIO * npos).astype(jnp.int32)
        k_v = jnp.broadcast_to(k_i, (16,))

        def outer(_, carry):
            lo_v, hi_v = carry
            mid_v = lo_v + lax.shift_right_logical(hi_v - lo_v + 1, 1)
            t_v = lax.bitcast_convert_type(mid_v, jnp.float32)

            def count_body(i, cnt):
                for u in range(16):
                    v = ce_v[pl.ds((i * 16 + u) * 16, 16)]
                    cnt = cnt + plsc.all_reduce_population_count(v >= t_v)
                return cnt

            cnt_v = lax.fori_loop(0, _NVEC // 16, count_body,
                                  jnp.zeros((16,), jnp.int32))
            ok = cnt_v >= k_v
            return (jnp.where(ok, mid_v, lo_v),
                    jnp.where(ok, hi_v, mid_v - 1))

        lo_v, hi_v = lax.fori_loop(
            0, 31, outer,
            (jnp.zeros((16,), jnp.int32),
             jnp.full((16,), _MAXF_BITS, jnp.int32)))
        t_v = lax.bitcast_convert_type(lo_v, jnp.float32)

        def sum_body(i, carry):
            s_acc, c_acc = carry
            for u in range(16):
                v = ce_v[pl.ds((i * 16 + u) * 16, 16)]
                gt = v > t_v
                s_acc = s_acc + jnp.where(gt, v, 0.0)
                c_acc = c_acc + plsc.all_reduce_population_count(gt)
            return (s_acc, c_acc)

        s_v, cgt_v = lax.fori_loop(
            0, _NVEC // 16, sum_body,
            (jnp.zeros((16,), jnp.float32), jnp.zeros((16,), jnp.int32)))

        sum_gt = s_v[0]
        for i in range(1, 16):
            sum_gt = sum_gt + s_v[i]
        cnt_gt = cgt_v[0]
        t_s = t_v[0]
        hard = sum_gt + (k_i - cnt_gt).astype(jnp.float32) * t_s

        out_v[...] = jnp.broadcast_to(hard, (16,))
        pltpu.sync_copy(out_v, hard_hbm.at[wid])

    return sc_hard


def _fin_body(stats_ref, hard_ref, out_ref):
    st = stats_ref[...]
    npos_tot = jnp.sum(st[:, 0])
    ce_pos_tot = jnp.sum(st[:, 1])
    loc_tot = jnp.sum(st[:, 2])
    hard_tot = jnp.sum(hard_ref[:, 0])
    loss = (hard_tot + ce_pos_tot) / npos_tot + loc_tot / (npos_tot * 4.0)
    out_ref[0, :] = jnp.broadcast_to(loss, (128,))


def _run_fin(stats, hard):
    return pl.pallas_call(
        _fin_body,
        out_shape=jax.ShapeDtypeStruct((1, 128), jnp.float32),
    )(stats, hard)


def kernel(predicted_locs, predicted_scores, boxes, labels, priors_cxcy):
    scores_t = jnp.transpose(predicted_scores, (2, 0, 1))
    scores_t = scores_t.reshape(_C, _B, 1, _P)
    locs_t = jnp.transpose(predicted_locs, (2, 0, 1))
    locs_t = locs_t.reshape(4, _B, 1, _P)
    priors_t = priors_cxcy.T
    labels3 = labels.reshape(_B, _NOBJ, 1).astype(jnp.int32)
    ce, stats = _run_tc(scores_t, locs_t, boxes, labels3, priors_t)
    ce = ce.reshape(_B, _PPAD)
    stats = stats.reshape(_B, 128)
    hard = _make_sc_hard()(ce, stats)
    fin = _run_fin(stats, hard)
    return fin[0, 0]

# --- scband reference (transcript-rebuilt; emitter-appended) ---
"""Pipeline reference for scband-multi-box-loss-10823317586364 (READ-ONLY COPY).

The authoritative reference and input builder live on the scoring server;
editing this copy changes nothing except your own understanding.
"""

import jax, jax.numpy as jnp
import numpy as np

THRESHOLD = 0.5
NEG_POS_RATIO = 3
ALPHA = 1.0


def make_priors():
    fmap_dims = [38, 19, 10, 5, 3, 1]
    scales = [0.1, 0.2, 0.375, 0.55, 0.725, 0.9]
    ars = [[1.0, 2.0, 0.5],
           [1.0, 2.0, 3.0, 0.5, 1.0 / 3.0],
           [1.0, 2.0, 3.0, 0.5, 1.0 / 3.0],
           [1.0, 2.0, 3.0, 0.5, 1.0 / 3.0],
           [1.0, 2.0, 0.5],
           [1.0, 2.0, 0.5]]
    priors = []
    for k in range(6):
        fd = fmap_dims[k]
        s = scales[k]
        for i in range(fd):
            for j in range(fd):
                cx = (j + 0.5) / fd
                cy = (i + 0.5) / fd
                for ar in ars[k]:
                    priors.append([cx, cy, s * np.sqrt(ar), s / np.sqrt(ar)])
                    if ar == 1.0:
                        add_s = np.sqrt(s * scales[k + 1]) if k < 5 else 1.0
                        priors.append([cx, cy, add_s, add_s])
    return np.clip(np.asarray(priors, dtype=np.float32), 0.0, 1.0)


def cxcy_to_xy(c):
    return jnp.concatenate([c[..., :2] - c[..., 2:] / 2.0, c[..., :2] + c[..., 2:] / 2.0], axis=-1)


def xy_to_cxcy(xy):
    return jnp.concatenate([(xy[..., :2] + xy[..., 2:]) / 2.0, xy[..., 2:] - xy[..., :2]], axis=-1)


def cxcy_to_gcxgcy(c, priors):
    return jnp.concatenate([(c[..., :2] - priors[..., :2]) / (priors[..., 2:] / 10.0),
                            jnp.log(c[..., 2:] / priors[..., 2:]) * 5.0], axis=-1)


def jaccard(a, b):
    lt = jnp.maximum(a[:, None, :2], b[None, :, :2])
    rb = jnp.minimum(a[:, None, 2:], b[None, :, 2:])
    wh = jnp.clip(rb - lt, 0.0)
    inter = wh[..., 0] * wh[..., 1]
    area_a = (a[:, 2] - a[:, 0]) * (a[:, 3] - a[:, 1])
    area_b = (b[:, 2] - b[:, 0]) * (b[:, 3] - b[:, 1])
    return inter / (area_a[:, None] + area_b[None, :] - inter)


def setup_inputs(seed: int = 0) -> dict:
    key = jax.random.key(seed)
    k1, k2, k3, k4, k5 = jax.random.split(key, 5)
    B, n_priors, n_classes, n_obj = 32, 8732, 81, 8
    predicted_locs = jax.random.normal(k1, (B, n_priors, 4), dtype=jnp.float32)
    predicted_scores = jax.random.normal(k2, (B, n_priors, n_classes), dtype=jnp.float32)
    wh = jax.random.uniform(k3, (B, n_obj, 2), minval=0.1, maxval=0.5)
    cxy = jax.random.uniform(k4, (B, n_obj, 2)) * (1.0 - wh) + wh / 2.0
    boxes = jnp.concatenate([cxy - wh / 2.0, cxy + wh / 2.0], axis=-1).astype(jnp.float32)
    labels = jax.random.randint(k5, (B, n_obj), 1, n_classes)
    priors_cxcy = jnp.asarray(make_priors())
    return {"predicted_locs": predicted_locs, "predicted_scores": predicted_scores,
            "boxes": boxes, "labels": labels, "priors_cxcy": priors_cxcy}


def reference(predicted_locs, predicted_scores, boxes, labels, priors_cxcy):
    B, n_priors, n_classes = predicted_scores.shape
    priors_xy = cxcy_to_xy(priors_cxcy)

    def match(boxes_i, labels_i):
        overlap = jaccard(boxes_i, priors_xy)          # [n_obj, n_priors]
        ofp = overlap.max(axis=0)                      # overlap_for_each_prior
        obj = jnp.argmax(overlap, axis=0)              # object_for_each_prior
        lab = labels_i[obj]
        lab = jnp.where(ofp < THRESHOLD, 0, lab)
        tl = cxcy_to_gcxgcy(xy_to_cxcy(boxes_i[obj]), priors_cxcy)
        return tl, lab

    true_locs, true_classes = jax.vmap(match)(boxes, labels)
    pos = (true_classes != 0)
    posf = pos.astype(jnp.float32)
    n_pos = pos.sum(axis=1)

    # nn.L1Loss() mean over positive elements (n_pos_total * 4 elements)
    loc_loss = jnp.sum(jnp.abs(predicted_locs - true_locs) * posf[..., None]) / (jnp.sum(posf) * 4.0)

    # per-element cross entropy
    logZ = jax.scipy.special.logsumexp(predicted_scores, axis=-1)
    true_score = jnp.take_along_axis(predicted_scores, true_classes[..., None], axis=-1)[..., 0]
    ce = logZ - true_score                             # [B, n_priors]

    ce_pos_sum = jnp.sum(ce * posf)
    ce_neg = jnp.where(pos, 0.0, ce)
    ce_neg_sorted = -jnp.sort(-ce_neg, axis=1)         # descending sort
    ranks = jnp.arange(n_priors)[None, :]
    hard = (ranks < (NEG_POS_RATIO * n_pos)[:, None]).astype(jnp.float32)
    ce_hard_sum = jnp.sum(ce_neg_sorted * hard)

    conf_loss = (ce_hard_sum + ce_pos_sum) / jnp.sum(n_pos).astype(jnp.float32)
    return conf_loss + ALPHA * loc_loss

if __name__ == "__main__":
    import jax
    _d = setup_inputs()
    print(jax.jit(kernel)(*tuple(_d.values())))

</pallas_src>

<mosaic_0001>
#map = affine_map<(d0, d1) -> (0, 0)>
module attributes {stable_mosaic.version = 14 : i64} {
  func.func @sc_hard(%arg0: i32, %arg1: i32, %arg2: memref<32x8960xf32, #tpu.memory_space<hbm>>, %arg3: memref<32x128xf32, #tpu.memory_space<hbm>>, %arg4: memref<32x16xf32, #tpu.memory_space<hbm>>, %arg5: memref<8960xf32, #tpu.memory_space<vmem>>, %arg6: memref<128xf32, #tpu.memory_space<vmem>>, %arg7: memref<16xf32, #tpu.memory_space<vmem>>) attributes {dimension_semantics = [#tpu.dimension_semantics<core_parallel>, #tpu.dimension_semantics<subcore_parallel>], iteration_bounds = array<i64: 2, 16>, scalar_prefetch = 0 : i64, scratch_operands = 3 : i64, tpu.core_type = #tpu.core_type<sc_vector_subcore>, window_params = [{transform_indices = #map}, {transform_indices = #map}, {transform_indices = #map}]} {
    %mul3A = arith.constant 2 : i32
    %mul3A_0 = arith.muli %arg1, %mul3A : i32
    %add3A = arith.addi %mul3A_0, %arg0 : i32
    "tpu.region"() ({
      %run_scoped3A = tpu.sem_alloc : memref<!tpu.dma_semaphore, #tpu.memory_space<semaphore_mem>>
      %dma_start3A = arith.constant 0 : i32
      %dma_start3A_79 = tpu.memref_slice %arg2[%add3A, %dma_start3A] : memref<32x8960xf32, #tpu.memory_space<hbm>> -> memref<1x8960xf32, #tpu.memory_space<hbm>>
      %dma_start3A_80 = tpu.memref_squeeze %dma_start3A_79 : memref<1x8960xf32, #tpu.memory_space<hbm>> -> memref<8960xf32, #tpu.memory_space<hbm>>
      %dma_start3A_81 = arith.constant 0 : i32
      %dma_start3A_82 = tpu.memref_slice %arg2[%add3A, %dma_start3A_81] : memref<32x8960xf32, #tpu.memory_space<hbm>> -> memref<1x8960xf32, #tpu.memory_space<hbm>>
      %dma_start3A_83 = tpu.memref_squeeze %dma_start3A_82 : memref<1x8960xf32, #tpu.memory_space<hbm>> -> memref<8960xf32, #tpu.memory_space<hbm>>
      tpu.enqueue_dma source(%dma_start3A_83 : memref<8960xf32, #tpu.memory_space<hbm>>) target(%arg5 : memref<8960xf32, #tpu.memory_space<vmem>>) target_semaphore(%run_scoped3A : memref<!tpu.dma_semaphore, #tpu.memory_space<semaphore_mem>>)
      %dma_wait3A = arith.constant 0 : i32
      %dma_wait3A_84 = tpu.memref_slice %arg2[%add3A, %dma_wait3A] : memref<32x8960xf32, #tpu.memory_space<hbm>> -> memref<1x8960xf32, #tpu.memory_space<hbm>>
      %dma_wait3A_85 = tpu.memref_squeeze %dma_wait3A_84 : memref<1x8960xf32, #tpu.memory_space<hbm>> -> memref<8960xf32, #tpu.memory_space<hbm>>
      %dma_wait3A_86 = arith.constant 0 : i32
      %dma_wait3A_87 = tpu.memref_slice %arg2[%add3A, %dma_wait3A_86] : memref<32x8960xf32, #tpu.memory_space<hbm>> -> memref<1x8960xf32, #tpu.memory_space<hbm>>
      %dma_wait3A_88 = tpu.memref_squeeze %dma_wait3A_87 : memref<1x8960xf32, #tpu.memory_space<hbm>> -> memref<8960xf32, #tpu.memory_space<hbm>>
      tpu.wait_dma2 semaphore(%run_scoped3A : memref<!tpu.dma_semaphore, #tpu.memory_space<semaphore_mem>>) src(%dma_wait3A_88 : memref<8960xf32, #tpu.memory_space<hbm>>) dst(%arg5 : memref<8960xf32, #tpu.memory_space<vmem>>)
      tpu.yield
    }) : () -> ()
    "tpu.region"() ({
      %run_scoped3A = tpu.sem_alloc : memref<!tpu.dma_semaphore, #tpu.memory_space<semaphore_mem>>
      %dma_start3A = arith.constant 0 : i32
      %dma_start3A_79 = tpu.memref_slice %arg3[%add3A, %dma_start3A] : memref<32x128xf32, #tpu.memory_space<hbm>> -> memref<1x128xf32, #tpu.memory_space<hbm>>
      %dma_start3A_80 = tpu.memref_squeeze %dma_start3A_79 : memref<1x128xf32, #tpu.memory_space<hbm>> -> memref<128xf32, #tpu.memory_space<hbm>>
      %dma_start3A_81 = arith.constant 0 : i32
      %dma_start3A_82 = tpu.memref_slice %arg3[%add3A, %dma_start3A_81] : memref<32x128xf32, #tpu.memory_space<hbm>> -> memref<1x128xf32, #tpu.memory_space<hbm>>
      %dma_start3A_83 = tpu.memref_squeeze %dma_start3A_82 : memref<1x128xf32, #tpu.memory_space<hbm>> -> memref<128xf32, #tpu.memory_space<hbm>>
      tpu.enqueue_dma source(%dma_start3A_83 : memref<128xf32, #tpu.memory_space<hbm>>) target(%arg6 : memref<128xf32, #tpu.memory_space<vmem>>) target_semaphore(%run_scoped3A : memref<!tpu.dma_semaphore, #tpu.memory_space<semaphore_mem>>)
      %dma_wait3A = arith.constant 0 : i32
      %dma_wait3A_84 = tpu.memref_slice %arg3[%add3A, %dma_wait3A] : memref<32x128xf32, #tpu.memory_space<hbm>> -> memref<1x128xf32, #tpu.memory_space<hbm>>
      %dma_wait3A_85 = tpu.memref_squeeze %dma_wait3A_84 : memref<1x128xf32, #tpu.memory_space<hbm>> -> memref<128xf32, #tpu.memory_space<hbm>>
      %dma_wait3A_86 = arith.constant 0 : i32
      %dma_wait3A_87 = tpu.memref_slice %arg3[%add3A, %dma_wait3A_86] : memref<32x128xf32, #tpu.memory_space<hbm>> -> memref<1x128xf32, #tpu.memory_space<hbm>>
      %dma_wait3A_88 = tpu.memref_squeeze %dma_wait3A_87 : memref<1x128xf32, #tpu.memory_space<hbm>> -> memref<128xf32, #tpu.memory_space<hbm>>
      tpu.wait_dma2 semaphore(%run_scoped3A : memref<!tpu.dma_semaphore, #tpu.memory_space<semaphore_mem>>) src(%dma_wait3A_88 : memref<128xf32, #tpu.memory_space<hbm>>) dst(%arg6 : memref<128xf32, #tpu.memory_space<vmem>>)
      tpu.yield
    }) : () -> ()
    %get3A = arith.constant 0 : index
    %get3A_1 = tpu.vector_load %arg6[%get3A] {strides = array<i32>} : memref<128xf32, #tpu.memory_space<vmem>>, vector<16xf32>,
    %slice3A = vector.extract_strided_slice %get3A_1 {offsets = [0], sizes = [1], strides = [1]} : vector<16xf32> to vector<1xf32>
    %squeeze3A = vector.extract %slice3A[0] : f32 from vector<1xf32>
    %mul3A_2 = arith.constant 3.000000e+00 : f32
    %mul3A_3 = arith.mulf %mul3A_2, %squeeze3A : f32
    %convert_element_type3A = arith.fptosi %mul3A_3 : f32 to i32
    %broadcast_in_dim3A = vector.broadcast %convert_element_type3A : i32 to vector<16xi32>
    %broadcast_in_dim3A_4 = arith.constant 0 : i32
    %broadcast_in_dim3A_5 = vector.broadcast %broadcast_in_dim3A_4 : i32 to vector<16xi32>
    %broadcast_in_dim3A_6 = arith.constant 2139095039 : i32
    %broadcast_in_dim3A_7 = vector.broadcast %broadcast_in_dim3A_6 : i32 to vector<16xi32>
    %scan3A = arith.constant 0 : i32
    %scan3A_8 = arith.constant 31 : i32
    %scan3A_9 = arith.addi %scan3A, %scan3A_8 : i32
    %scan3A_10 = arith.constant 1 : i32
    %scan3A_11:2 = scf.for %scan3A_79 = %scan3A to %scan3A_9 step %scan3A_10 iter_args(%scan3A_80 = %broadcast_in_dim3A_5, %scan3A_81 = %broadcast_in_dim3A_7) -> (vector<16xi32>, vector<16xi32>)  : i32 {
      %sub3A_82 = arith.subi %scan3A_81, %scan3A_80 : vector<16xi32>
      %add3A_83 = arith.constant 1 : i32
      %add3A_84 = vector.broadcast %add3A_83 : i32 to vector<16xi32>
      %add3A_85 = arith.addi %sub3A_82, %add3A_84 : vector<16xi32>
      %shift_right_logical3A = arith.constant 1 : i32
      %shift_right_logical3A_86 = vector.broadcast %shift_right_logical3A : i32 to vector<16xi32>
      %shift_right_logical3A_87 = arith.shrui %add3A_85, %shift_right_logical3A_86 : vector<16xi32>
      %add3A_88 = arith.addi %scan3A_80, %shift_right_logical3A_87 : vector<16xi32>
      %bitcast_convert_type3A_89 = tpu.bitcast %add3A_88 : vector<16xi32> -> vector<16xf32>
      %broadcast_in_dim3A_90 = arith.constant 0 : i32
      %broadcast_in_dim3A_91 = vector.broadcast %broadcast_in_dim3A_90 : i32 to vector<16xi32>
      %scan3A_92 = arith.constant 0 : i32
      %scan3A_93 = arith.constant 35 : i32
      %scan3A_94 = arith.addi %scan3A_92, %scan3A_93 : i32
      %scan3A_95 = arith.constant 1 : i32
      %scan3A_96 = scf.for %scan3A_102 = %scan3A_92 to %scan3A_94 step %scan3A_95 iter_args(%scan3A_103 = %broadcast_in_dim3A_91) -> (vector<16xi32>)  : i32 {
        %mul3A_104 = arith.constant 16 : i32
        %mul3A_105 = arith.muli %scan3A_102, %mul3A_104 : i32
        %add3A_106 = arith.constant 0 : i32
        %add3A_107 = arith.addi %mul3A_105, %add3A_106 : i32
        %mul3A_108 = arith.constant 16 : i32
        %mul3A_109 = arith.muli %add3A_107, %mul3A_108 : i32
        %get3A_110 = arith.index_cast %mul3A_109 : i32 to index
        %get3A_111 = tpu.vector_load %arg5[%get3A_110] {strides = array<i32>} : memref<8960xf32, #tpu.memory_space<vmem>>, vector<16xf32>,
        %ge3A_112 = arith.cmpf oge, %get3A_111, %bitcast_convert_type3A_89 : vector<16xf32>
        %all_reduce_population_count3A = tpu.all_reduce %ge3A_112 {dim = 0 : i64, kind = #tpu.reduction_kind<sum>} : vector<16xi1> -> vector<16xi32>
        %add3A_113 = arith.addi %scan3A_103, %all_reduce_population_count3A : vector<16xi32>
        %mul3A_114 = arith.constant 16 : i32
        %mul3A_115 = arith.muli %scan3A_102, %mul3A_114 : i32
        %add3A_116 = arith.constant 1 : i32
        %add3A_117 = arith.addi %mul3A_115, %add3A_116 : i32
        %mul3A_118 = arith.constant 16 : i32
        %mul3A_119 = arith.muli %add3A_117, %mul3A_118 : i32
        %get3A_120 = arith.index_cast %mul3A_119 : i32 to index
        %get3A_121 = tpu.vector_load %arg5[%get3A_120] {strides = array<i32>} : memref<8960xf32, #tpu.memory_space<vmem>>, vector<16xf32>,
        %ge3A_122 = arith.cmpf oge, %get3A_121, %bitcast_convert_type3A_89 : vector<16xf32>
        %all_reduce_population_count3A_123 = tpu.all_reduce %ge3A_122 {dim = 0 : i64, kind = #tpu.reduction_kind<sum>} : vector<16xi1> -> vector<16xi32>
        %add3A_124 = arith.addi %add3A_113, %all_reduce_population_count3A_123 : vector<16xi32>
        %mul3A_125 = arith.constant 16 : i32
        %mul3A_126 = arith.muli %scan3A_102, %mul3A_125 : i32
        %add3A_127 = arith.constant 2 : i32
        %add3A_128 = arith.addi %mul3A_126, %add3A_127 : i32
        %mul3A_129 = arith.constant 16 : i32
        %mul3A_130 = arith.muli %add3A_128, %mul3A_129 : i32
        %get3A_131 = arith.index_cast %mul3A_130 : i32 to index
        %get3A_132 = tpu.vector_load %arg5[%get3A_131] {strides = array<i32>} : memref<8960xf32, #tpu.memory_space<vmem>>, vector<16xf32>,
        %ge3A_133 = arith.cmpf oge, %get3A_132, %bitcast_convert_type3A_89 : vector<16xf32>
        %all_reduce_population_count3A_134 = tpu.all_reduce %ge3A_133 {dim = 0 : i64, kind = #tpu.reduction_kind<sum>} : vector<16xi1> -> vector<16xi32>
        %add3A_135 = arith.addi %add3A_124, %all_reduce_population_count3A_134 : vector<16xi32>
        %mul3A_136 = arith.constant 16 : i32
        %mul3A_137 = arith.muli %scan3A_102, %mul3A_136 : i32
        %add3A_138 = arith.constant 3 : i32
        %add3A_139 = arith.addi %mul3A_137, %add3A_138 : i32
        %mul3A_140 = arith.constant 16 : i32
        %mul3A_141 = arith.muli %add3A_139, %mul3A_140 : i32
        %get3A_142 = arith.index_cast %mul3A_141 : i32 to index
        %get3A_143 = tpu.vector_load %arg5[%get3A_142] {strides = array<i32>} : memref<8960xf32, #tpu.memory_space<vmem>>, vector<16xf32>,
        %ge3A_144 = arith.cmpf oge, %get3A_143, %bitcast_convert_type3A_89 : vector<16xf32>
        %all_reduce_population_count3A_145 = tpu.all_reduce %ge3A_144 {dim = 0 : i64, kind = #tpu.reduction_kind<sum>} : vector<16xi1> -> vector<16xi32>
        %add3A_146 = arith.addi %add3A_135, %all_reduce_population_count3A_145 : vector<16xi32>
        %mul3A_147 = arith.constant 16 : i32
        %mul3A_148 = arith.muli %scan3A_102, %mul3A_147 : i32
        %add3A_149 = arith.constant 4 : i32
        %add3A_150 = arith.addi %mul3A_148, %add3A_149 : i32
        %mul3A_151 = arith.constant 16 : i32
        %mul3A_152 = arith.muli %add3A_150, %mul3A_151 : i32
        %get3A_153 = arith.index_cast %mul3A_152 : i32 to index
        %get3A_154 = tpu.vector_load %arg5[%get3A_153] {strides = array<i32>} : memref<8960xf32, #tpu.memory_space<vmem>>, vector<16xf32>,
        %ge3A_155 = arith.cmpf oge, %get3A_154, %bitcast_convert_type3A_89 : vector<16xf32>
        %all_reduce_population_count3A_156 = tpu.all_reduce %ge3A_155 {dim = 0 : i64, kind = #tpu.reduction_kind<sum>} : vector<16xi1> -> vector<16xi32>
        %add3A_157 = arith.addi %add3A_146, %all_reduce_population_count3A_156 : vector<16xi32>
        %mul3A_158 = arith.constant 16 : i32
        %mul3A_159 = arith.muli %scan3A_102, %mul3A_158 : i32
        %add3A_160 = arith.constant 5 : i32
        %add3A_161 = arith.addi %mul3A_159, %add3A_160 : i32
        %mul3A_162 = arith.constant 16 : i32
        %mul3A_163 = arith.muli %add3A_161, %mul3A_162 : i32
        %get3A_164 = arith.index_cast %mul3A_163 : i32 to index
        %get3A_165 = tpu.vector_load %arg5[%get3A_164] {strides = array<i32>} : memref<8960xf32, #tpu.memory_space<vmem>>, vector<16xf32>,
        %ge3A_166 = arith.cmpf oge, %get3A_165, %bitcast_convert_type3A_89 : vector<16xf32>
        %all_reduce_population_count3A_167 = tpu.all_reduce %ge3A_166 {dim = 0 : i64, kind = #tpu.reduction_kind<sum>} : vector<16xi1> -> vector<16xi32>
        %add3A_168 = arith.addi %add3A_157, %all_reduce_population_count3A_167 : vector<16xi32>
        %mul3A_169 = arith.constant 16 : i32
        %mul3A_170 = arith.muli %scan3A_102, %mul3A_169 : i32
        %add3A_171 = arith.constant 6 : i32
        %add3A_172 = arith.addi %mul3A_170, %add3A_171 : i32
        %mul3A_173 = arith.constant 16 : i32
        %mul3A_174 = arith.muli %add3A_172, %mul3A_173 : i32
        %get3A_175 = arith.index_cast %mul3A_174 : i32 to index
        %get3A_176 = tpu.vector_load %arg5[%get3A_175] {strides = array<i32>} : memref<8960xf32, #tpu.memory_space<vmem>>, vector<16xf32>,
        %ge3A_177 = arith.cmpf oge, %get3A_176, %bitcast_convert_type3A_89 : vector<16xf32>
        %all_reduce_population_count3A_178 = tpu.all_reduce %ge3A_177 {dim = 0 : i64, kind = #tpu.reduction_kind<sum>} : vector<16xi1> -> vector<16xi32>
        %add3A_179 = arith.addi %add3A_168, %all_reduce_population_count3A_178 : vector<16xi32>
        %mul3A_180 = arith.constant 16 : i32
        %mul3A_181 = arith.muli %scan3A_102, %mul3A_180 : i32
        %add3A_182 = arith.constant 7 : i32
        %add3A_183 = arith.addi %mul3A_181, %add3A_182 : i32
        %mul3A_184 = arith.constant 16 : i32
        %mul3A_185 = arith.muli %add3A_183, %mul3A_184 : i32
        %get3A_186 = arith.index_cast %mul3A_185 : i32 to index
        %get3A_187 = tpu.vector_load %arg5[%get3A_186] {strides = array<i32>} : memref<8960xf32, #tpu.memory_space<vmem>>, vector<16xf32>,
        %ge3A_188 = arith.cmpf oge, %get3A_187, %bitcast_convert_type3A_89 : vector<16xf32>
        %all_reduce_population_count3A_189 = tpu.all_reduce %ge3A_188 {dim = 0 : i64, kind = #tpu.reduction_kind<sum>} : vector<16xi1> -> vector<16xi32>
        %add3A_190 = arith.addi %add3A_179, %all_reduce_population_count3A_189 : vector<16xi32>
        %mul3A_191 = arith.constant 16 : i32
        %mul3A_192 = arith.muli %scan3A_102, %mul3A_191 : i32
        %add3A_193 = arith.constant 8 : i32
        %add3A_194 = arith.addi %mul3A_192, %add3A_193 : i32
        %mul3A_195 = arith.constant 16 : i32
        %mul3A_196 = arith.muli %add3A_194, %mul3A_195 : i32
        %get3A_197 = arith.index_cast %mul3A_196 : i32 to index
        %get3A_198 = tpu.vector_load %arg5[%get3A_197] {strides = array<i32>} : memref<8960xf32, #tpu.memory_space<vmem>>, vector<16xf32>,
        %ge3A_199 = arith.cmpf oge, %get3A_198, %bitcast_convert_type3A_89 : vector<16xf32>
        %all_reduce_population_count3A_200 = tpu.all_reduce %ge3A_199 {dim = 0 : i64, kind = #tpu.reduction_kind<sum>} : vector<16xi1> -> vector<16xi32>
        %add3A_201 = arith.addi %add3A_190, %all_reduce_population_count3A_200 : vector<16xi32>
        %mul3A_202 = arith.constant 16 : i32
        %mul3A_203 = arith.muli %scan3A_102, %mul3A_202 : i32
        %add3A_204 = arith.constant 9 : i32
        %add3A_205 = arith.addi %mul3A_203, %add3A_204 : i32
        %mul3A_206 = arith.constant 16 : i32
        %mul3A_207 = arith.muli %add3A_205, %mul3A_206 : i32
        %get3A_208 = arith.index_cast %mul3A_207 : i32 to index
        %get3A_209 = tpu.vector_load %arg5[%get3A_208] {strides = array<i32>} : memref<8960xf32, #tpu.memory_space<vmem>>, vector<16xf32>,
        %ge3A_210 = arith.cmpf oge, %get3A_209, %bitcast_convert_type3A_89 : vector<16xf32>
        %all_reduce_population_count3A_211 = tpu.all_reduce %ge3A_210 {dim = 0 : i64, kind = #tpu.reduction_kind<sum>} : vector<16xi1> -> vector<16xi32>
        %add3A_212 = arith.addi %add3A_201, %all_reduce_population_count3A_211 : vector<16xi32>
        %mul3A_213 = arith.constant 16 : i32
        %mul3A_214 = arith.muli %scan3A_102, %mul3A_213 : i32
        %add3A_215 = arith.constant 10 : i32
        %add3A_216 = arith.addi %mul3A_214, %add3A_215 : i32
        %mul3A_217 = arith.constant 16 : i32
        %mul3A_218 = arith.muli %add3A_216, %mul3A_217 : i32
        %get3A_219 = arith.index_cast %mul3A_218 : i32 to index
        %get3A_220 = tpu.vector_load %arg5[%get3A_219] {strides = array<i32>} : memref<8960xf32, #tpu.memory_space<vmem>>, vector<16xf32>,
        %ge3A_221 = arith.cmpf oge, %get3A_220, %bitcast_convert_type3A_89 : vector<16xf32>
        %all_reduce_population_count3A_222 = tpu.all_reduce %ge3A_221 {dim = 0 : i64, kind = #tpu.reduction_kind<sum>} : vector<16xi1> -> vector<16xi32>
        %add3A_223 = arith.addi %add3A_212, %all_reduce_population_count3A_222 : vector<16xi32>
        %mul3A_224 = arith.constant 16 : i32
        %mul3A_225 = arith.muli %scan3A_102, %mul3A_224 : i32
        %add3A_226 = arith.constant 11 : i32
        %add3A_227 = arith.addi %mul3A_225, %add3A_226 : i32
        %mul3A_228 = arith.constant 16 : i32
        %mul3A_229 = arith.muli %add3A_227, %mul3A_228 : i32
        %get3A_230 = arith.index_cast %mul3A_229 : i32 to index
        %get3A_231 = tpu.vector_load %arg5[%get3A_230] {strides = array<i32>} : memref<8960xf32, #tpu.memory_space<vmem>>, vector<16xf32>,
        %ge3A_232 = arith.cmpf oge, %get3A_231, %bitcast_convert_type3A_89 : vector<16xf32>
        %all_reduce_population_count3A_233 = tpu.all_reduce %ge3A_232 {dim = 0 : i64, kind = #tpu.reduction_kind<sum>} : vector<16xi1> -> vector<16xi32>
        %add3A_234 = arith.addi %add3A_223, %all_reduce_population_count3A_233 : vector<16xi32>
        %mul3A_235 = arith.constant 16 : i32
        %mul3A_236 = arith.muli %scan3A_102, %mul3A_235 : i32
        %add3A_237 = arith.constant 12 : i32
        %add3A_238 = arith.addi %mul3A_236, %add3A_237 : i32
        %mul3A_239 = arith.constant 16 : i32
        %mul3A_240 = arith.muli %add3A_238, %mul3A_239 : i32
        %get3A_241 = arith.index_cast %mul3A_240 : i32 to index
        %get3A_242 = tpu.vector_load %arg5[%get3A_241] {strides = array<i32>} : memref<8960xf32, #tpu.memory_space<vmem>>, vector<16xf32>,
        %ge3A_243 = arith.cmpf oge, %get3A_242, %bitcast_convert_type3A_89 : vector<16xf32>
        %all_reduce_population_count3A_244 = tpu.all_reduce %ge3A_243 {dim = 0 : i64, kind = #tpu.reduction_kind<sum>} : vector<16xi1> -> vector<16xi32>
        %add3A_245 = arith.addi %add3A_234, %all_reduce_population_count3A_244 : vector<16xi32>
        %mul3A_246 = arith.constant 16 : i32
        %mul3A_247 = arith.muli %scan3A_102, %mul3A_246 : i32
        %add3A_248 = arith.constant 13 : i32
        %add3A_249 = arith.addi %mul3A_247, %add3A_248 : i32
        %mul3A_250 = arith.constant 16 : i32
        %mul3A_251 = arith.muli %add3A_249, %mul3A_250 : i32
        %get3A_252 = arith.index_cast %mul3A_251 : i32 to index
        %get3A_253 = tpu.vector_load %arg5[%get3A_252] {strides = array<i32>} : memref<8960xf32, #tpu.memory_space<vmem>>, vector<16xf32>,
        %ge3A_254 = arith.cmpf oge, %get3A_253, %bitcast_convert_type3A_89 : vector<16xf32>
        %all_reduce_population_count3A_255 = tpu.all_reduce %ge3A_254 {dim = 0 : i64, kind = #tpu.reduction_kind<sum>} : vector<16xi1> -> vector<16xi32>
        %add3A_256 = arith.addi %add3A_245, %all_reduce_population_count3A_255 : vector<16xi32>
        %mul3A_257 = arith.constant 16 : i32
        %mul3A_258 = arith.muli %scan3A_102, %mul3A_257 : i32
        %add3A_259 = arith.constant 14 : i32
        %add3A_260 = arith.addi %mul3A_258, %add3A_259 : i32
        %mul3A_261 = arith.constant 16 : i32
        %mul3A_262 = arith.muli %add3A_260, %mul3A_261 : i32
        %get3A_263 = arith.index_cast %mul3A_262 : i32 to index
        %get3A_264 = tpu.vector_load %arg5[%get3A_263] {strides = array<i32>} : memref<8960xf32, #tpu.memory_space<vmem>>, vector<16xf32>,
        %ge3A_265 = arith.cmpf oge, %get3A_264, %bitcast_convert_type3A_89 : vector<16xf32>
        %all_reduce_population_count3A_266 = tpu.all_reduce %ge3A_265 {dim = 0 : i64, kind = #tpu.reduction_kind<sum>} : vector<16xi1> -> vector<16xi32>
        %add3A_267 = arith.addi %add3A_256, %all_reduce_population_count3A_266 : vector<16xi32>
        %mul3A_268 = arith.constant 16 : i32
        %mul3A_269 = arith.muli %scan3A_102, %mul3A_268 : i32
        %add3A_270 = arith.constant 15 : i32
        %add3A_271 = arith.addi %mul3A_269, %add3A_270 : i32
        %mul3A_272 = arith.constant 16 : i32
        %mul3A_273 = arith.muli %add3A_271, %mul3A_272 : i32
        %get3A_274 = arith.index_cast %mul3A_273 : i32 to index
        %get3A_275 = tpu.vector_load %arg5[%get3A_274] {strides = array<i32>} : memref<8960xf32, #tpu.memory_space<vmem>>, vector<16xf32>,
        %ge3A_276 = arith.cmpf oge, %get3A_275, %bitcast_convert_type3A_89 : vector<16xf32>
        %all_reduce_population_count3A_277 = tpu.all_reduce %ge3A_276 {dim = 0 : i64, kind = #tpu.reduction_kind<sum>} : vector<16xi1> -> vector<16xi32>
        %add3A_278 = arith.addi %add3A_267, %all_reduce_population_count3A_277 : vector<16xi32>
        scf.yield %add3A_278 : vector<16xi32>
      }
      %scan3A_97 = arith.constant 35 : i32
      %ge3A = arith.cmpi sge, %scan3A_96, %broadcast_in_dim3A : vector<16xi32>
      %select_n3A = arith.select %ge3A, %add3A_88, %scan3A_80 : vector<16xi1>, vector<16xi32>
      %sub3A_98 = arith.constant 1 : i32
      %sub3A_99 = vector.broadcast %sub3A_98 : i32 to vector<16xi32>
      %sub3A_100 = arith.subi %add3A_88, %sub3A_99 : vector<16xi32>
      %select_n3A_101 = arith.select %ge3A, %scan3A_81, %sub3A_100 : vector<16xi1>, vector<16xi32>
      scf.yield %select_n3A, %select_n3A_101 : vector<16xi32>, vector<16xi32>
    }
    %scan3A_12 = arith.constant 31 : i32
    %bitcast_convert_type3A = tpu.bitcast %scan3A_11#0 : vector<16xi32> -> vector<16xf32>
    %broadcast_in_dim3A_13 = arith.constant 0.000000e+00 : f32
    %broadcast_in_dim3A_14 = vector.broadcast %broadcast_in_dim3A_13 : f32 to vector<16xf32>
    %broadcast_in_dim3A_15 = arith.constant 0 : i32
    %broadcast_in_dim3A_16 = vector.broadcast %broadcast_in_dim3A_15 : i32 to vector<16xi32>
    %scan3A_17 = arith.constant 0 : i32
    %scan3A_18 = arith.constant 35 : i32
    %scan3A_19 = arith.addi %scan3A_17, %scan3A_18 : i32
    %scan3A_20 = arith.constant 1 : i32
    %scan3A_21:2 = scf.for %scan3A_79 = %scan3A_17 to %scan3A_19 step %scan3A_20 iter_args(%scan3A_80 = %broadcast_in_dim3A_14, %scan3A_81 = %broadcast_in_dim3A_16) -> (vector<16xf32>, vector<16xi32>)  : i32 {
      %mul3A_82 = arith.constant 16 : i32
      %mul3A_83 = arith.muli %scan3A_79, %mul3A_82 : i32
      %add3A_84 = arith.constant 0 : i32
      %add3A_85 = arith.addi %mul3A_83, %add3A_84 : i32
      %mul3A_86 = arith.constant 16 : i32
      %mul3A_87 = arith.muli %add3A_85, %mul3A_86 : i32
      %get3A_88 = arith.index_cast %mul3A_87 : i32 to index
      %get3A_89 = tpu.vector_load %arg5[%get3A_88] {strides = array<i32>} : memref<8960xf32, #tpu.memory_space<vmem>>, vector<16xf32>,
      %gt3A = arith.cmpf ogt, %get3A_89, %bitcast_convert_type3A : vector<16xf32>
      %jit3A = arith.constant 0.000000e+00 : f32
      %broadcast_in_dim3A_90 = vector.broadcast %jit3A : f32 to vector<16xf32>
      %select_n3A = arith.select %gt3A, %get3A_89, %broadcast_in_dim3A_90 : vector<16xi1>, vector<16xf32>
      %add3A_91 = arith.addf %scan3A_80, %select_n3A : vector<16xf32>
      %all_reduce_population_count3A = tpu.all_reduce %gt3A {dim = 0 : i64, kind = #tpu.reduction_kind<sum>} : vector<16xi1> -> vector<16xi32>
      %add3A_92 = arith.addi %scan3A_81, %all_reduce_population_count3A : vector<16xi32>
      %mul3A_93 = arith.constant 16 : i32
      %mul3A_94 = arith.muli %scan3A_79, %mul3A_93 : i32
      %add3A_95 = arith.constant 1 : i32
      %add3A_96 = arith.addi %mul3A_94, %add3A_95 : i32
      %mul3A_97 = arith.constant 16 : i32
      %mul3A_98 = arith.muli %add3A_96, %mul3A_97 : i32
      %get3A_99 = arith.index_cast %mul3A_98 : i32 to index
      %get3A_100 = tpu.vector_load %arg5[%get3A_99] {strides = array<i32>} : memref<8960xf32, #tpu.memory_space<vmem>>, vector<16xf32>,
      %gt3A_101 = arith.cmpf ogt, %get3A_100, %bitcast_convert_type3A : vector<16xf32>
      %jit3A_102 = arith.constant 0.000000e+00 : f32
      %broadcast_in_dim3A_103 = vector.broadcast %jit3A_102 : f32 to vector<16xf32>
      %select_n3A_104 = arith.select %gt3A_101, %get3A_100, %broadcast_in_dim3A_103 : vector<16xi1>, vector<16xf32>
      %add3A_105 = arith.addf %add3A_91, %select_n3A_104 : vector<16xf32>
      %all_reduce_population_count3A_106 = tpu.all_reduce %gt3A_101 {dim = 0 : i64, kind = #tpu.reduction_kind<sum>} : vector<16xi1> -> vector<16xi32>
      %add3A_107 = arith.addi %add3A_92, %all_reduce_population_count3A_106 : vector<16xi32>
      %mul3A_108 = arith.constant 16 : i32
      %mul3A_109 = arith.muli %scan3A_79, %mul3A_108 : i32
      %add3A_110 = arith.constant 2 : i32
      %add3A_111 = arith.addi %mul3A_109, %add3A_110 : i32
      %mul3A_112 = arith.constant 16 : i32
      %mul3A_113 = arith.muli %add3A_111, %mul3A_112 : i32
      %get3A_114 = arith.index_cast %mul3A_113 : i32 to index
      %get3A_115 = tpu.vector_load %arg5[%get3A_114] {strides = array<i32>} : memref<8960xf32, #tpu.memory_space<vmem>>, vector<16xf32>,
      %gt3A_116 = arith.cmpf ogt, %get3A_115, %bitcast_convert_type3A : vector<16xf32>
      %jit3A_117 = arith.constant 0.000000e+00 : f32
      %broadcast_in_dim3A_118 = vector.broadcast %jit3A_117 : f32 to vector<16xf32>
      %select_n3A_119 = arith.select %gt3A_116, %get3A_115, %broadcast_in_dim3A_118 : vector<16xi1>, vector<16xf32>
      %add3A_120 = arith.addf %add3A_105, %select_n3A_119 : vector<16xf32>
      %all_reduce_population_count3A_121 = tpu.all_reduce %gt3A_116 {dim = 0 : i64, kind = #tpu.reduction_kind<sum>} : vector<16xi1> -> vector<16xi32>
      %add3A_122 = arith.addi %add3A_107, %all_reduce_population_count3A_121 : vector<16xi32>
      %mul3A_123 = arith.constant 16 : i32
      %mul3A_124 = arith.muli %scan3A_79, %mul3A_123 : i32
      %add3A_125 = arith.constant 3 : i32
      %add3A_126 = arith.addi %mul3A_124, %add3A_125 : i32
      %mul3A_127 = arith.constant 16 : i32
      %mul3A_128 = arith.muli %add3A_126, %mul3A_127 : i32
      %get3A_129 = arith.index_cast %mul3A_128 : i32 to index
      %get3A_130 = tpu.vector_load %arg5[%get3A_129] {strides = array<i32>} : memref<8960xf32, #tpu.memory_space<vmem>>, vector<16xf32>,
      %gt3A_131 = arith.cmpf ogt, %get3A_130, %bitcast_convert_type3A : vector<16xf32>
      %jit3A_132 = arith.constant 0.000000e+00 : f32
      %broadcast_in_dim3A_133 = vector.broadcast %jit3A_132 : f32 to vector<16xf32>
      %select_n3A_134 = arith.select %gt3A_131, %get3A_130, %broadcast_in_dim3A_133 : vector<16xi1>, vector<16xf32>
      %add3A_135 = arith.addf %add3A_120, %select_n3A_134 : vector<16xf32>
      %all_reduce_population_count3A_136 = tpu.all_reduce %gt3A_131 {dim = 0 : i64, kind = #tpu.reduction_kind<sum>} : vector<16xi1> -> vector<16xi32>
      %add3A_137 = arith.addi %add3A_122, %all_reduce_population_count3A_136 : vector<16xi32>
      %mul3A_138 = arith.constant 16 : i32
      %mul3A_139 = arith.muli %scan3A_79, %mul3A_138 : i32
      %add3A_140 = arith.constant 4 : i32
      %add3A_141 = arith.addi %mul3A_139, %add3A_140 : i32
      %mul3A_142 = arith.constant 16 : i32
      %mul3A_143 = arith.muli %add3A_141, %mul3A_142 : i32
      %get3A_144 = arith.index_cast %mul3A_143 : i32 to index
      %get3A_145 = tpu.vector_load %arg5[%get3A_144] {strides = array<i32>} : memref<8960xf32, #tpu.memory_space<vmem>>, vector<16xf32>,
      %gt3A_146 = arith.cmpf ogt, %get3A_145, %bitcast_convert_type3A : vector<16xf32>
      %jit3A_147 = arith.constant 0.000000e+00 : f32
      %broadcast_in_dim3A_148 = vector.broadcast %jit3A_147 : f32 to vector<16xf32>
      %select_n3A_149 = arith.select %gt3A_146, %get3A_145, %broadcast_in_dim3A_148 : vector<16xi1>, vector<16xf32>
      %add3A_150 = arith.addf %add3A_135, %select_n3A_149 : vector<16xf32>
      %all_reduce_population_count3A_151 = tpu.all_reduce %gt3A_146 {dim = 0 : i64, kind = #tpu.reduction_kind<sum>} : vector<16xi1> -> vector<16xi32>
      %add3A_152 = arith.addi %add3A_137, %all_reduce_population_count3A_151 : vector<16xi32>
      %mul3A_153 = arith.constant 16 : i32
      %mul3A_154 = arith.muli %scan3A_79, %mul3A_153 : i32
      %add3A_155 = arith.constant 5 : i32
      %add3A_156 = arith.addi %mul3A_154, %add3A_155 : i32
      %mul3A_157 = arith.constant 16 : i32
      %mul3A_158 = arith.muli %add3A_156, %mul3A_157 : i32
      %get3A_159 = arith.index_cast %mul3A_158 : i32 to index
      %get3A_160 = tpu.vector_load %arg5[%get3A_159] {strides = array<i32>} : memref<8960xf32, #tpu.memory_space<vmem>>, vector<16xf32>,
      %gt3A_161 = arith.cmpf ogt, %get3A_160, %bitcast_convert_type3A : vector<16xf32>
      %jit3A_162 = arith.constant 0.000000e+00 : f32
      %broadcast_in_dim3A_163 = vector.broadcast %jit3A_162 : f32 to vector<16xf32>
      %select_n3A_164 = arith.select %gt3A_161, %get3A_160, %broadcast_in_dim3A_163 : vector<16xi1>, vector<16xf32>
      %add3A_165 = arith.addf %add3A_150, %select_n3A_164 : vector<16xf32>
      %all_reduce_population_count3A_166 = tpu.all_reduce %gt3A_161 {dim = 0 : i64, kind = #tpu.reduction_kind<sum>} : vector<16xi1> -> vector<16xi32>
      %add3A_167 = arith.addi %add3A_152, %all_reduce_population_count3A_166 : vector<16xi32>
      %mul3A_168 = arith.constant 16 : i32
      %mul3A_169 = arith.muli %scan3A_79, %mul3A_168 : i32
      %add3A_170 = arith.constant 6 : i32
      %add3A_171 = arith.addi %mul3A_169, %add3A_170 : i32
      %mul3A_172 = arith.constant 16 : i32
      %mul3A_173 = arith.muli %add3A_171, %mul3A_172 : i32
      %get3A_174 = arith.index_cast %mul3A_173 : i32 to index
      %get3A_175 = tpu.vector_load %arg5[%get3A_174] {strides = array<i32>} : memref<8960xf32, #tpu.memory_space<vmem>>, vector<16xf32>,
      %gt3A_176 = arith.cmpf ogt, %get3A_175, %bitcast_convert_type3A : vector<16xf32>
      %jit3A_177 = arith.constant 0.000000e+00 : f32
      %broadcast_in_dim3A_178 = vector.broadcast %jit3A_177 : f32 to vector<16xf32>
      %select_n3A_179 = arith.select %gt3A_176, %get3A_175, %broadcast_in_dim3A_178 : vector<16xi1>, vector<16xf32>
      %add3A_180 = arith.addf %add3A_165, %select_n3A_179 : vector<16xf32>
      %all_reduce_population_count3A_181 = tpu.all_reduce %gt3A_176 {dim = 0 : i64, kind = #tpu.reduction_kind<sum>} : vector<16xi1> -> vector<16xi32>
      %add3A_182 = arith.addi %add3A_167, %all_reduce_population_count3A_181 : vector<16xi32>
      %mul3A_183 = arith.constant 16 : i32
      %mul3A_184 = arith.muli %scan3A_79, %mul3A_183 : i32
      %add3A_185 = arith.constant 7 : i32
      %add3A_186 = arith.addi %mul3A_184, %add3A_185 : i32
      %mul3A_187 = arith.constant 16 : i32
      %mul3A_188 = arith.muli %add3A_186, %mul3A_187 : i32
      %get3A_189 = arith.index_cast %mul3A_188 : i32 to index
      %get3A_190 = tpu.vector_load %arg5[%get3A_189] {strides = array<i32>} : memref<8960xf32, #tpu.memory_space<vmem>>, vector<16xf32>,
      %gt3A_191 = arith.cmpf ogt, %get3A_190, %bitcast_convert_type3A : vector<16xf32>
      %jit3A_192 = arith.constant 0.000000e+00 : f32
      %broadcast_in_dim3A_193 = vector.broadcast %jit3A_192 : f32 to vector<16xf32>
      %select_n3A_194 = arith.select %gt3A_191, %get3A_190, %broadcast_in_dim3A_193 : vector<16xi1>, vector<16xf32>
      %add3A_195 = arith.addf %add3A_180, %select_n3A_194 : vector<16xf32>
      %all_reduce_population_count3A_196 = tpu.all_reduce %gt3A_191 {dim = 0 : i64, kind = #tpu.reduction_kind<sum>} : vector<16xi1> -> vector<16xi32>
      %add3A_197 = arith.addi %add3A_182, %all_reduce_population_count3A_196 : vector<16xi32>
      %mul3A_198 = arith.constant 16 : i32
      %mul3A_199 = arith.muli %scan3A_79, %mul3A_198 : i32
      %add3A_200 = arith.constant 8 : i32
      %add3A_201 = arith.addi %mul3A_199, %add3A_200 : i32
      %mul3A_202 = arith.constant 16 : i32
      %mul3A_203 = arith.muli %add3A_201, %mul3A_202 : i32
      %get3A_204 = arith.index_cast %mul3A_203 : i32 to index
      %get3A_205 = tpu.vector_load %arg5[%get3A_204] {strides = array<i32>} : memref<8960xf32, #tpu.memory_space<vmem>>, vector<16xf32>,
      %gt3A_206 = arith.cmpf ogt, %get3A_205, %bitcast_convert_type3A : vector<16xf32>
      %jit3A_207 = arith.constant 0.000000e+00 : f32
      %broadcast_in_dim3A_208 = vector.broadcast %jit3A_207 : f32 to vector<16xf32>
      %select_n3A_209 = arith.select %gt3A_206, %get3A_205, %broadcast_in_dim3A_208 : vector<16xi1>, vector<16xf32>
      %add3A_210 = arith.addf %add3A_195, %select_n3A_209 : vector<16xf32>
      %all_reduce_population_count3A_211 = tpu.all_reduce %gt3A_206 {dim = 0 : i64, kind = #tpu.reduction_kind<sum>} : vector<16xi1> -> vector<16xi32>
      %add3A_212 = arith.addi %add3A_197, %all_reduce_population_count3A_211 : vector<16xi32>
      %mul3A_213 = arith.constant 16 : i32
      %mul3A_214 = arith.muli %scan3A_79, %mul3A_213 : i32
      %add3A_215 = arith.constant 9 : i32
      %add3A_216 = arith.addi %mul3A_214, %add3A_215 : i32
      %mul3A_217 = arith.constant 16 : i32
      %mul3A_218 = arith.muli %add3A_216, %mul3A_217 : i32
      %get3A_219 = arith.index_cast %mul3A_218 : i32 to index
      %get3A_220 = tpu.vector_load %arg5[%get3A_219] {strides = array<i32>} : memref<8960xf32, #tpu.memory_space<vmem>>, vector<16xf32>,
      %gt3A_221 = arith.cmpf ogt, %get3A_220, %bitcast_convert_type3A : vector<16xf32>
      %jit3A_222 = arith.constant 0.000000e+00 : f32
      %broadcast_in_dim3A_223 = vector.broadcast %jit3A_222 : f32 to vector<16xf32>
      %select_n3A_224 = arith.select %gt3A_221, %get3A_220, %broadcast_in_dim3A_223 : vector<16xi1>, vector<16xf32>
      %add3A_225 = arith.addf %add3A_210, %select_n3A_224 : vector<16xf32>
      %all_reduce_population_count3A_226 = tpu.all_reduce %gt3A_221 {dim = 0 : i64, kind = #tpu.reduction_kind<sum>} : vector<16xi1> -> vector<16xi32>
      %add3A_227 = arith.addi %add3A_212, %all_reduce_population_count3A_226 : vector<16xi32>
      %mul3A_228 = arith.constant 16 : i32
      %mul3A_229 = arith.muli %scan3A_79, %mul3A_228 : i32
      %add3A_230 = arith.constant 10 : i32
      %add3A_231 = arith.addi %mul3A_229, %add3A_230 : i32
      %mul3A_232 = arith.constant 16 : i32
      %mul3A_233 = arith.muli %add3A_231, %mul3A_232 : i32
      %get3A_234 = arith.index_cast %mul3A_233 : i32 to index
      %get3A_235 = tpu.vector_load %arg5[%get3A_234] {strides = array<i32>} : memref<8960xf32, #tpu.memory_space<vmem>>, vector<16xf32>,
      %gt3A_236 = arith.cmpf ogt, %get3A_235, %bitcast_convert_type3A : vector<16xf32>
      %jit3A_237 = arith.constant 0.000000e+00 : f32
      %broadcast_in_dim3A_238 = vector.broadcast %jit3A_237 : f32 to vector<16xf32>
      %select_n3A_239 = arith.select %gt3A_236, %get3A_235, %broadcast_in_dim3A_238 : vector<16xi1>, vector<16xf32>
      %add3A_240 = arith.addf %add3A_225, %select_n3A_239 : vector<16xf32>
      %all_reduce_population_count3A_241 = tpu.all_reduce %gt3A_236 {dim = 0 : i64, kind = #tpu.reduction_kind<sum>} : vector<16xi1> -> vector<16xi32>
      %add3A_242 = arith.addi %add3A_227, %all_reduce_population_count3A_241 : vector<16xi32>
      %mul3A_243 = arith.constant 16 : i32
      %mul3A_244 = arith.muli %scan3A_79, %mul3A_243 : i32
      %add3A_245 = arith.constant 11 : i32
      %add3A_246 = arith.addi %mul3A_244, %add3A_245 : i32
      %mul3A_247 = arith.constant 16 : i32
      %mul3A_248 = arith.muli %add3A_246, %mul3A_247 : i32
      %get3A_249 = arith.index_cast %mul3A_248 : i32 to index
      %get3A_250 = tpu.vector_load %arg5[%get3A_249] {strides = array<i32>} : memref<8960xf32, #tpu.memory_space<vmem>>, vector<16xf32>,
      %gt3A_251 = arith.cmpf ogt, %get3A_250, %bitcast_convert_type3A : vector<16xf32>
      %jit3A_252 = arith.constant 0.000000e+00 : f32
      %broadcast_in_dim3A_253 = vector.broadcast %jit3A_252 : f32 to vector<16xf32>
      %select_n3A_254 = arith.select %gt3A_251, %get3A_250, %broadcast_in_dim3A_253 : vector<16xi1>, vector<16xf32>
      %add3A_255 = arith.addf %add3A_240, %select_n3A_254 : vector<16xf32>
      %all_reduce_population_count3A_256 = tpu.all_reduce %gt3A_251 {dim = 0 : i64, kind = #tpu.reduction_kind<sum>} : vector<16xi1> -> vector<16xi32>
      %add3A_257 = arith.addi %add3A_242, %all_reduce_population_count3A_256 : vector<16xi32>
      %mul3A_258 = arith.constant 16 : i32
      %mul3A_259 = arith.muli %scan3A_79, %mul3A_258 : i32
      %add3A_260 = arith.constant 12 : i32
      %add3A_261 = arith.addi %mul3A_259, %add3A_260 : i32
      %mul3A_262 = arith.constant 16 : i32
      %mul3A_263 = arith.muli %add3A_261, %mul3A_262 : i32
      %get3A_264 = arith.index_cast %mul3A_263 : i32 to index
      %get3A_265 = tpu.vector_load %arg5[%get3A_264] {strides = array<i32>} : memref<8960xf32, #tpu.memory_space<vmem>>, vector<16xf32>,
      %gt3A_266 = arith.cmpf ogt, %get3A_265, %bitcast_convert_type3A : vector<16xf32>
      %jit3A_267 = arith.constant 0.000000e+00 : f32
      %broadcast_in_dim3A_268 = vector.broadcast %jit3A_267 : f32 to vector<16xf32>
      %select_n3A_269 = arith.select %gt3A_266, %get3A_265, %broadcast_in_dim3A_268 : vector<16xi1>, vector<16xf32>
      %add3A_270 = arith.addf %add3A_255, %select_n3A_269 : vector<16xf32>
      %all_reduce_population_count3A_271 = tpu.all_reduce %gt3A_266 {dim = 0 : i64, kind = #tpu.reduction_kind<sum>} : vector<16xi1> -> vector<16xi32>
      %add3A_272 = arith.addi %add3A_257, %all_reduce_population_count3A_271 : vector<16xi32>
      %mul3A_273 = arith.constant 16 : i32
      %mul3A_274 = arith.muli %scan3A_79, %mul3A_273 : i32
      %add3A_275 = arith.constant 13 : i32
      %add3A_276 = arith.addi %mul3A_274, %add3A_275 : i32
      %mul3A_277 = arith.constant 16 : i32
      %mul3A_278 = arith.muli %add3A_276, %mul3A_277 : i32
      %get3A_279 = arith.index_cast %mul3A_278 : i32 to index
      %get3A_280 = tpu.vector_load %arg5[%get3A_279] {strides = array<i32>} : memref<8960xf32, #tpu.memory_space<vmem>>, vector<16xf32>,
      %gt3A_281 = arith.cmpf ogt, %get3A_280, %bitcast_convert_type3A : vector<16xf32>
      %jit3A_282 = arith.constant 0.000000e+00 : f32
      %broadcast_in_dim3A_283 = vector.broadcast %jit3A_282 : f32 to vector<16xf32>
      %select_n3A_284 = arith.select %gt3A_281, %get3A_280, %broadcast_in_dim3A_283 : vector<16xi1>, vector<16xf32>
      %add3A_285 = arith.addf %add3A_270, %select_n3A_284 : vector<16xf32>
      %all_reduce_population_count3A_286 = tpu.all_reduce %gt3A_281 {dim = 0 : i64, kind = #tpu.reduction_kind<sum>} : vector<16xi1> -> vector<16xi32>
      %add3A_287 = arith.addi %add3A_272, %all_reduce_population_count3A_286 : vector<16xi32>
      %mul3A_288 = arith.constant 16 : i32
      %mul3A_289 = arith.muli %scan3A_79, %mul3A_288 : i32
      %add3A_290 = arith.constant 14 : i32
      %add3A_291 = arith.addi %mul3A_289, %add3A_290 : i32
      %mul3A_292 = arith.constant 16 : i32
      %mul3A_293 = arith.muli %add3A_291, %mul3A_292 : i32
      %get3A_294 = arith.index_cast %mul3A_293 : i32 to index
      %get3A_295 = tpu.vector_load %arg5[%get3A_294] {strides = array<i32>} : memref<8960xf32, #tpu.memory_space<vmem>>, vector<16xf32>,
      %gt3A_296 = arith.cmpf ogt, %get3A_295, %bitcast_convert_type3A : vector<16xf32>
      %jit3A_297 = arith.constant 0.000000e+00 : f32
      %broadcast_in_dim3A_298 = vector.broadcast %jit3A_297 : f32 to vector<16xf32>
      %select_n3A_299 = arith.select %gt3A_296, %get3A_295, %broadcast_in_dim3A_298 : vector<16xi1>, vector<16xf32>
      %add3A_300 = arith.addf %add3A_285, %select_n3A_299 : vector<16xf32>
      %all_reduce_population_count3A_301 = tpu.all_reduce %gt3A_296 {dim = 0 : i64, kind = #tpu.reduction_kind<sum>} : vector<16xi1> -> vector<16xi32>
      %add3A_302 = arith.addi %add3A_287, %all_reduce_population_count3A_301 : vector<16xi32>
      %mul3A_303 = arith.constant 16 : i32
      %mul3A_304 = arith.muli %scan3A_79, %mul3A_303 : i32
      %add3A_305 = arith.constant 15 : i32
      %add3A_306 = arith.addi %mul3A_304, %add3A_305 : i32
      %mul3A_307 = arith.constant 16 : i32
      %mul3A_308 = arith.muli %add3A_306, %mul3A_307 : i32
      %get3A_309 = arith.index_cast %mul3A_308 : i32 to index
      %get3A_310 = tpu.vector_load %arg5[%get3A_309] {strides = array<i32>} : memref<8960xf32, #tpu.memory_space<vmem>>, vector<16xf32>,
      %gt3A_311 = arith.cmpf ogt, %get3A_310, %bitcast_convert_type3A : vector<16xf32>
      %jit3A_312 = arith.constant 0.000000e+00 : f32
      %broadcast_in_dim3A_313 = vector.broadcast %jit3A_312 : f32 to vector<16xf32>
      %select_n3A_314 = arith.select %gt3A_311, %get3A_310, %broadcast_in_dim3A_313 : vector<16xi1>, vector<16xf32>
      %add3A_315 = arith.addf %add3A_300, %select_n3A_314 : vector<16xf32>
      %all_reduce_population_count3A_316 = tpu.all_reduce %gt3A_311 {dim = 0 : i64, kind = #tpu.reduction_kind<sum>} : vector<16xi1> -> vector<16xi32>
      %add3A_317 = arith.addi %add3A_302, %all_reduce_population_count3A_316 : vector<16xi32>
      scf.yield %add3A_315, %add3A_317 : vector<16xf32>, vector<16xi32>
    }
    %scan3A_22 = arith.constant 35 : i32
    %slice3A_23 = vector.extract_strided_slice %scan3A_21#0 {offsets = [0], sizes = [1], strides = [1]} : vector<16xf32> to vector<1xf32>
    %squeeze3A_24 = vector.extract %slice3A_23[0] : f32 from vector<1xf32>
    %slice3A_25 = vector.extract_strided_slice %scan3A_21#0 {offsets = [1], sizes = [1], strides = [1]} : vector<16xf32> to vector<1xf32>
    %squeeze3A_26 = vector.extract %slice3A_25[0] : f32 from vector<1xf32>
    %add3A_27 = arith.addf %squeeze3A_24, %squeeze3A_26 : f32
    %slice3A_28 = vector.extract_strided_slice %scan3A_21#0 {offsets = [2], sizes = [1], strides = [1]} : vector<16xf32> to vector<1xf32>
    %squeeze3A_29 = vector.extract %slice3A_28[0] : f32 from vector<1xf32>
    %add3A_30 = arith.addf %add3A_27, %squeeze3A_29 : f32
    %slice3A_31 = vector.extract_strided_slice %scan3A_21#0 {offsets = [3], sizes = [1], strides = [1]} : vector<16xf32> to vector<1xf32>
    %squeeze3A_32 = vector.extract %slice3A_31[0] : f32 from vector<1xf32>
    %add3A_33 = arith.addf %add3A_30, %squeeze3A_32 : f32
    %slice3A_34 = vector.extract_strided_slice %scan3A_21#0 {offsets = [4], sizes = [1], strides = [1]} : vector<16xf32> to vector<1xf32>
    %squeeze3A_35 = vector.extract %slice3A_34[0] : f32 from vector<1xf32>
    %add3A_36 = arith.addf %add3A_33, %squeeze3A_35 : f32
    %slice3A_37 = vector.extract_strided_slice %scan3A_21#0 {offsets = [5], sizes = [1], strides = [1]} : vector<16xf32> to vector<1xf32>
    %squeeze3A_38 = vector.extract %slice3A_37[0] : f32 from vector<1xf32>
    %add3A_39 = arith.addf %add3A_36, %squeeze3A_38 : f32
    %slice3A_40 = vector.extract_strided_slice %scan3A_21#0 {offsets = [6], sizes = [1], strides = [1]} : vector<16xf32> to vector<1xf32>
    %squeeze3A_41 = vector.extract %slice3A_40[0] : f32 from vector<1xf32>
    %add3A_42 = arith.addf %add3A_39, %squeeze3A_41 : f32
    %slice3A_43 = vector.extract_strided_slice %scan3A_21#0 {offsets = [7], sizes = [1], strides = [1]} : vector<16xf32> to vector<1xf32>
    %squeeze3A_44 = vector.extract %slice3A_43[0] : f32 from vector<1xf32>
    %add3A_45 = arith.addf %add3A_42, %squeeze3A_44 : f32
    %slice3A_46 = vector.extract_strided_slice %scan3A_21#0 {offsets = [8], sizes = [1], strides = [1]} : vector<16xf32> to vector<1xf32>
    %squeeze3A_47 = vector.extract %slice3A_46[0] : f32 from vector<1xf32>
    %add3A_48 = arith.addf %add3A_45, %squeeze3A_47 : f32
    %slice3A_49 = vector.extract_strided_slice %scan3A_21#0 {offsets = [9], sizes = [1], strides = [1]} : vector<16xf32> to vector<1xf32>
    %squeeze3A_50 = vector.extract %slice3A_49[0] : f32 from vector<1xf32>
    %add3A_51 = arith.addf %add3A_48, %squeeze3A_50 : f32
    %slice3A_52 = vector.extract_strided_slice %scan3A_21#0 {offsets = [10], sizes = [1], strides = [1]} : vector<16xf32> to vector<1xf32>
    %squeeze3A_53 = vector.extract %slice3A_52[0] : f32 from vector<1xf32>
    %add3A_54 = arith.addf %add3A_51, %squeeze3A_53 : f32
    %slice3A_55 = vector.extract_strided_slice %scan3A_21#0 {offsets = [11], sizes = [1], strides = [1]} : vector<16xf32> to vector<1xf32>
    %squeeze3A_56 = vector.extract %slice3A_55[0] : f32 from vector<1xf32>
    %add3A_57 = arith.addf %add3A_54, %squeeze3A_56 : f32
    %slice3A_58 = vector.extract_strided_slice %scan3A_21#0 {offsets = [12], sizes = [1], strides = [1]} : vector<16xf32> to vector<1xf32>
    %squeeze3A_59 = vector.extract %slice3A_58[0] : f32 from vector<1xf32>
    %add3A_60 = arith.addf %add3A_57, %squeeze3A_59 : f32
    %slice3A_61 = vector.extract_strided_slice %scan3A_21#0 {offsets = [13], sizes = [1], strides = [1]} : vector<16xf32> to vector<1xf32>
    %squeeze3A_62 = vector.extract %slice3A_61[0] : f32 from vector<1xf32>
    %add3A_63 = arith.addf %add3A_60, %squeeze3A_62 : f32
    %slice3A_64 = vector.extract_strided_slice %scan3A_21#0 {offsets = [14], sizes = [1], strides = [1]} : vector<16xf32> to vector<1xf32>
    %squeeze3A_65 = vector.extract %slice3A_64[0] : f32 from vector<1xf32>
    %add3A_66 = arith.addf %add3A_63, %squeeze3A_65 : f32
    %slice3A_67 = vector.extract_strided_slice %scan3A_21#0 {offsets = [15], sizes = [1], strides = [1]} : vector<16xf32> to vector<1xf32>
    %squeeze3A_68 = vector.extract %slice3A_67[0] : f32 from vector<1xf32>
    %add3A_69 = arith.addf %add3A_66, %squeeze3A_68 : f32
    %slice3A_70 = vector.extract_strided_slice %scan3A_21#1 {offsets = [0], sizes = [1], strides = [1]} : vector<16xi32> to vector<1xi32>
    %squeeze3A_71 = vector.extract %slice3A_70[0] : i32 from vector<1xi32>
    %slice3A_72 = vector.extract_strided_slice %bitcast_convert_type3A {offsets = [0], sizes = [1], strides = [1]} : vector<16xf32> to vector<1xf32>
    %squeeze3A_73 = vector.extract %slice3A_72[0] : f32 from vector<1xf32>
    %sub3A = arith.subi %convert_element_type3A, %squeeze3A_71 : i32
    %convert_element_type3A_74 = arith.sitofp %sub3A : i32 to f32
    %mul3A_75 = arith.mulf %convert_element_type3A_74, %squeeze3A_73 : f32
    %add3A_76 = arith.addf %add3A_69, %mul3A_75 : f32
    %broadcast_in_dim3A_77 = vector.broadcast %add3A_76 : f32 to vector<16xf32>
    %swap3A = arith.constant 0 : index
    %swap3A_78 = tpu.vector_load %arg7[%swap3A] {strides = array<i32>} : memref<16xf32, #tpu.memory_space<vmem>>, vector<16xf32>,
    tpu.vector_store %arg7[%swap3A], %broadcast_in_dim3A_77 {strides = array<i32>} : memref<16xf32, #tpu.memory_space<vmem>>, vector<16xf32>,
    "tpu.region"() ({
      %run_scoped3A = tpu.sem_alloc : memref<!tpu.dma_semaphore, #tpu.memory_space<semaphore_mem>>
      %dma_start3A = arith.constant 0 : i32
      %dma_start3A_79 = tpu.memref_slice %arg4[%add3A, %dma_start3A] : memref<32x16xf32, #tpu.memory_space<hbm>> -> memref<1x16xf32, #tpu.memory_space<hbm>>
      %dma_start3A_80 = tpu.memref_squeeze %dma_start3A_79 : memref<1x16xf32, #tpu.memory_space<hbm>> -> memref<16xf32, #tpu.memory_space<hbm>>
      %dma_start3A_81 = arith.constant 0 : i32
      %dma_start3A_82 = tpu.memref_slice %arg4[%add3A, %dma_start3A_81] : memref<32x16xf32, #tpu.memory_space<hbm>> -> memref<1x16xf32, #tpu.memory_space<hbm>>
      %dma_start3A_83 = tpu.memref_squeeze %dma_start3A_82 : memref<1x16xf32, #tpu.memory_space<hbm>> -> memref<16xf32, #tpu.memory_space<hbm>>
      tpu.enqueue_dma source(%arg7 : memref<16xf32, #tpu.memory_space<vmem>>) target(%dma_start3A_83 : memref<16xf32, #tpu.memory_space<hbm>>) target_semaphore(%run_scoped3A : memref<!tpu.dma_semaphore, #tpu.memory_space<semaphore_mem>>)
      %dma_wait3A = arith.constant 0 : i32
      %dma_wait3A_84 = tpu.memref_slice %arg4[%add3A, %dma_wait3A] : memref<32x16xf32, #tpu.memory_space<hbm>> -> memref<1x16xf32, #tpu.memory_space<hbm>>
      %dma_wait3A_85 = tpu.memref_squeeze %dma_wait3A_84 : memref<1x16xf32, #tpu.memory_space<hbm>> -> memref<16xf32, #tpu.memory_space<hbm>>
      %dma_wait3A_86 = arith.constant 0 : i32
      %dma_wait3A_87 = tpu.memref_slice %arg4[%add3A, %dma_wait3A_86] : memref<32x16xf32, #tpu.memory_space<hbm>> -> memref<1x16xf32, #tpu.memory_space<hbm>>
      %dma_wait3A_88 = tpu.memref_squeeze %dma_wait3A_87 : memref<1x16xf32, #tpu.memory_space<hbm>> -> memref<16xf32, #tpu.memory_space<hbm>>
      tpu.wait_dma2 semaphore(%run_scoped3A : memref<!tpu.dma_semaphore, #tpu.memory_space<semaphore_mem>>) src(%arg7 : memref<16xf32, #tpu.memory_space<vmem>>) dst(%dma_wait3A_88 : memref<16xf32, #tpu.memory_space<hbm>>)
      tpu.yield
    }) : () -> ()
    return
  }
}

module attributes {stable_mosaic.version = 14 : i64} {
  func.func @_tc_body(%arg0: i32, %arg1: memref<81x1x1x8732xf32, #tpu.memory_space<vmem>>, %arg2: memref<4x1x1x8732xf32, #tpu.memory_space<vmem>>, %arg3: memref<1x8x4xf32, #tpu.memory_space<vmem>>, %arg4: memref<1x8x1xi32, #tpu.memory_space<vmem>>, %arg5: memref<4x8732xf32, #tpu.memory_space<vmem>>, %arg6: memref<1x1x8960xf32, #tpu.memory_space<vmem>>, %arg7: memref<1x1x128xf32, #tpu.memory_space<vmem>>) attributes {dimension_semantics = [#tpu.dimension_semantics<arbitrary>], iteration_bounds = array<i64: 32>, scalar_prefetch = 0 : i64, scratch_operands = 0 : i64, tpu.core_type = #tpu.core_type<tc>, window_params = [{transform_indices = @transform_0, window_bounds = array<i64: 81, 1, 1, 8732>}, {transform_indices = @transform_1, window_bounds = array<i64: 4, 1, 1, 8732>}, {transform_indices = @transform_2, window_bounds = array<i64: 1, 8, 4>}, {transform_indices = @transform_3, window_bounds = array<i64: 1, 8, 1>}, {pipeline_mode = #tpu.pipeline_mode<synchronous>, transform_indices = @transform_4, window_bounds = array<i64: 4, 8732>}, {transform_indices = @transform_5, window_bounds = array<i64: 1, 1, 8960>}, {transform_indices = @transform_6, window_bounds = array<i64: 1, 1, 128>}]} {
    %get3A = arith.constant 0 : index
    %get3A_0 = arith.constant 0 : index
    %get3A_1 = vector.load %arg5[%get3A, %get3A_0] : memref<4x8732xf32, #tpu.memory_space<vmem>>, vector<1x8732xf32>
    %get3A_2 = vector.shape_cast %get3A_1 : vector<1x8732xf32> to vector<8732xf32>
    %get3A_3 = arith.constant 1 : index
    %get3A_4 = arith.constant 0 : index
    %get3A_5 = vector.load %arg5[%get3A_3, %get3A_4] : memref<4x8732xf32, #tpu.memory_space<vmem>>, vector<1x8732xf32>
    %get3A_6 = vector.shape_cast %get3A_5 : vector<1x8732xf32> to vector<8732xf32>
    %get3A_7 = arith.constant 2 : index
    %get3A_8 = arith.constant 0 : index
    %get3A_9 = vector.load %arg5[%get3A_7, %get3A_8] : memref<4x8732xf32, #tpu.memory_space<vmem>>, vector<1x8732xf32>
    %get3A_10 = vector.shape_cast %get3A_9 : vector<1x8732xf32> to vector<8732xf32>
    %get3A_11 = arith.constant 3 : index
    %get3A_12 = arith.constant 0 : index
    %get3A_13 = vector.load %arg5[%get3A_11, %get3A_12] : memref<4x8732xf32, #tpu.memory_space<vmem>>, vector<1x8732xf32>
    %get3A_14 = vector.shape_cast %get3A_13 : vector<1x8732xf32> to vector<8732xf32>
    %mul3A = arith.constant 5.000000e-01 : f32
    %mul3A_15 = vector.broadcast %mul3A : f32 to vector<8732xf32>
    %mul3A_16 = arith.mulf %get3A_10, %mul3A_15 : vector<8732xf32>
    %sub3A = arith.subf %get3A_2, %mul3A_16 : vector<8732xf32>
    %mul3A_17 = arith.constant 5.000000e-01 : f32
    %mul3A_18 = vector.broadcast %mul3A_17 : f32 to vector<8732xf32>
    %mul3A_19 = arith.mulf %get3A_14, %mul3A_18 : vector<8732xf32>
    %sub3A_20 = arith.subf %get3A_6, %mul3A_19 : vector<8732xf32>
    %mul3A_21 = arith.constant 5.000000e-01 : f32
    %mul3A_22 = vector.broadcast %mul3A_21 : f32 to vector<8732xf32>
    %mul3A_23 = arith.mulf %get3A_10, %mul3A_22 : vector<8732xf32>
    %add3A = arith.addf %get3A_2, %mul3A_23 : vector<8732xf32>
    %mul3A_24 = arith.constant 5.000000e-01 : f32
    %mul3A_25 = vector.broadcast %mul3A_24 : f32 to vector<8732xf32>
    %mul3A_26 = arith.mulf %get3A_14, %mul3A_25 : vector<8732xf32>
    %add3A_27 = arith.addf %get3A_6, %mul3A_26 : vector<8732xf32>
    %sub3A_28 = arith.subf %add3A, %sub3A : vector<8732xf32>
    %sub3A_29 = arith.subf %add3A_27, %sub3A_20 : vector<8732xf32>
    %mul3A_30 = arith.mulf %sub3A_28, %sub3A_29 : vector<8732xf32>
    %get3A_31 = arith.constant 0 : index
    %get3A_32 = arith.constant 0 : index
    %get3A_33 = arith.constant 0 : index
    %get3A_34 = vector.load %arg3[%get3A_31, %get3A_32, %get3A_33] : memref<1x8x4xf32, #tpu.memory_space<vmem>>, vector<1x8x4xf32>
    %get3A_35 = vector.shape_cast %get3A_34 : vector<1x8x4xf32> to vector<8x4xf32>
    %slice3A = vector.extract_strided_slice %get3A_35 {offsets = [0, 0], sizes = [8, 1], strides = [1, 1]} : vector<8x4xf32> to vector<8x1xf32>
    %slice3A_36 = vector.extract_strided_slice %get3A_35 {offsets = [0, 1], sizes = [8, 1], strides = [1, 1]} : vector<8x4xf32> to vector<8x1xf32>
    %slice3A_37 = vector.extract_strided_slice %get3A_35 {offsets = [0, 2], sizes = [8, 1], strides = [1, 1]} : vector<8x4xf32> to vector<8x1xf32>
    %slice3A_38 = vector.extract_strided_slice %get3A_35 {offsets = [0, 3], sizes = [8, 1], strides = [1, 1]} : vector<8x4xf32> to vector<8x1xf32>
    %sub3A_39 = arith.subf %slice3A_37, %slice3A : vector<8x1xf32>
    %sub3A_40 = arith.subf %slice3A_38, %slice3A_36 : vector<8x1xf32>
    %mul3A_41 = arith.mulf %sub3A_39, %sub3A_40 : vector<8x1xf32>
    %broadcast_in_dim3A = vector.shape_cast %sub3A : vector<8732xf32> to vector<1x8732xf32>
    %max3A = vector.broadcast %slice3A : vector<8x1xf32> to vector<8x8732xf32>
    %max3A_42 = vector.broadcast %broadcast_in_dim3A : vector<1x8732xf32> to vector<8x8732xf32>
    %max3A_43 = arith.maximumf %max3A, %max3A_42 : vector<8x8732xf32>
    %broadcast_in_dim3A_44 = vector.shape_cast %sub3A_20 : vector<8732xf32> to vector<1x8732xf32>
    %max3A_45 = vector.broadcast %slice3A_36 : vector<8x1xf32> to vector<8x8732xf32>
    %max3A_46 = vector.broadcast %broadcast_in_dim3A_44 : vector<1x8732xf32> to vector<8x8732xf32>
    %max3A_47 = arith.maximumf %max3A_45, %max3A_46 : vector<8x8732xf32>
    %broadcast_in_dim3A_48 = vector.shape_cast %add3A : vector<8732xf32> to vector<1x8732xf32>
    %min3A = vector.broadcast %slice3A_37 : vector<8x1xf32> to vector<8x8732xf32>
    %min3A_49 = vector.broadcast %broadcast_in_dim3A_48 : vector<1x8732xf32> to vector<8x8732xf32>
    %min3A_50 = arith.minimumf %min3A, %min3A_49 : vector<8x8732xf32>
    %broadcast_in_dim3A_51 = vector.shape_cast %add3A_27 : vector<8732xf32> to vector<1x8732xf32>
    %min3A_52 = vector.broadcast %slice3A_38 : vector<8x1xf32> to vector<8x8732xf32>
    %min3A_53 = vector.broadcast %broadcast_in_dim3A_51 : vector<1x8732xf32> to vector<8x8732xf32>
    %min3A_54 = arith.minimumf %min3A_52, %min3A_53 : vector<8x8732xf32>
    %sub3A_55 = arith.subf %min3A_50, %max3A_43 : vector<8x8732xf32>
    %jit3A = arith.constant 0.000000e+00 : f32
    %max3A_56 = vector.broadcast %jit3A : f32 to vector<8x8732xf32>
    %max3A_57 = arith.maximumf %max3A_56, %sub3A_55 : vector<8x8732xf32>
    %sub3A_58 = arith.subf %min3A_54, %max3A_47 : vector<8x8732xf32>
    %jit3A_59 = arith.constant 0.000000e+00 : f32
    %max3A_60 = vector.broadcast %jit3A_59 : f32 to vector<8x8732xf32>
    %max3A_61 = arith.maximumf %max3A_60, %sub3A_58 : vector<8x8732xf32>
    %mul3A_62 = arith.mulf %max3A_57, %max3A_61 : vector<8x8732xf32>
    %broadcast_in_dim3A_63 = vector.shape_cast %mul3A_30 : vector<8732xf32> to vector<1x8732xf32>
    %add3A_64 = vector.broadcast %mul3A_41 : vector<8x1xf32> to vector<8x8732xf32>
    %add3A_65 = vector.broadcast %broadcast_in_dim3A_63 : vector<1x8732xf32> to vector<8x8732xf32>
    %add3A_66 = arith.addf %add3A_64, %add3A_65 : vector<8x8732xf32>
    %sub3A_67 = arith.subf %add3A_66, %mul3A_62 : vector<8x8732xf32>
    %div3A = arith.divf %mul3A_62, %sub3A_67 : vector<8x8732xf32>
    %reduce_max3A = arith.constant dense<0xFF800000> : vector<8732xf32>
    %reduce_max3A_68 = vector.multi_reduction <maximumf>, %div3A, %reduce_max3A [0] : vector<8x8732xf32> to vector<8732xf32>
    %argmax3A = tpu.reduce_index %div3A {axis = 0 : i32, kind = #tpu.reduction_kind<arg_max>} : vector<8x8732xf32> -> vector<8732xi32>
    %broadcast_in_dim3A_69 = vector.shape_cast %argmax3A : vector<8732xi32> to vector<1x8732xi32>
    %iota3A = tpu.iota {dimensions = array<i32: 0>} : vector<8x8732xi32>
    %eq3A = vector.broadcast %broadcast_in_dim3A_69 : vector<1x8732xi32> to vector<8x8732xi32>
    %eq3A_70 = arith.cmpi eq, %eq3A, %iota3A : vector<8x8732xi32>
    %get3A_71 = arith.constant 0 : index
    %get3A_72 = arith.constant 0 : index
    %get3A_73 = arith.constant 0 : index
    %get3A_74 = vector.load %arg4[%get3A_71, %get3A_72, %get3A_73] : memref<1x8x1xi32, #tpu.memory_space<vmem>>, vector<1x8x1xi32>
    %get3A_75 = vector.shape_cast %get3A_74 : vector<1x8x1xi32> to vector<8x1xi32>
    %jit3A_76 = arith.constant 0 : i32
    %broadcast_in_dim3A_77 = vector.shape_cast %get3A_75 : vector<8x1xi32> to vector<8x1xi32>
    %broadcast_in_dim3A_78 = vector.broadcast %broadcast_in_dim3A_77 : vector<8x1xi32> to vector<8x8732xi32>
    %broadcast_in_dim3A_79 = vector.broadcast %jit3A_76 : i32 to vector<8x8732xi32>
    %select_n3A = arith.select %eq3A_70, %broadcast_in_dim3A_78, %broadcast_in_dim3A_79 : vector<8x8732xi1>, vector<8x8732xi32>
    %reduce_sum3A = arith.constant dense<0> : vector<8732xi32>
    %reduce_sum3A_80 = vector.multi_reduction <add>, %select_n3A, %reduce_sum3A [0] : vector<8x8732xi32> to vector<8732xi32>
    %lt3A = arith.constant 5.000000e-01 : f32
    %lt3A_81 = vector.broadcast %lt3A : f32 to vector<8732xf32>
    %lt3A_82 = arith.cmpf olt, %reduce_max3A_68, %lt3A_81 : vector<8732xf32>
    %jit3A_83 = arith.constant 0 : i32
    %broadcast_in_dim3A_84 = vector.broadcast %jit3A_83 : i32 to vector<8732xi32>
    %select_n3A_85 = arith.select %lt3A_82, %broadcast_in_dim3A_84, %reduce_sum3A_80 : vector<8732xi1>, vector<8732xi32>
    %ne3A = arith.constant 0 : i32
    %ne3A_86 = vector.broadcast %ne3A : i32 to vector<8732xi32>
    %ne3A_87 = arith.cmpi ne, %select_n3A_85, %ne3A_86 : vector<8732xi32>
    %convert_element_type3A = arith.extui %ne3A_87 : vector<8732xi1> to vector<8732xi32>
    %convert_element_type3A_88 = arith.sitofp %convert_element_type3A : vector<8732xi32> to vector<8732xf32>
    %reduce_sum3A_89 = vector.shape_cast %convert_element_type3A_88 : vector<8732xf32> to vector<1x8732xf32>
    %reduce_sum3A_90 = arith.constant dense<0.000000e+00> : vector<1xf32>
    %reduce_sum3A_91 = vector.multi_reduction <add>, %reduce_sum3A_89, %reduce_sum3A_90 [1] : vector<1x8732xf32> to vector<1xf32>
    %reduce_sum3A_92 = vector.shape_cast %reduce_sum3A_91 : vector<1xf32> to vector<1x1xf32>
    %reduce_sum3A_93 = vector.extract %reduce_sum3A_92[0, 0] : f32 from vector<1x1xf32>
    %jit3A_94 = arith.constant 0.000000e+00 : f32
    %broadcast_in_dim3A_95 = vector.shape_cast %slice3A : vector<8x1xf32> to vector<8x1xf32>
    %broadcast_in_dim3A_96 = vector.broadcast %broadcast_in_dim3A_95 : vector<8x1xf32> to vector<8x8732xf32>
    %broadcast_in_dim3A_97 = vector.broadcast %jit3A_94 : f32 to vector<8x8732xf32>
    %select_n3A_98 = arith.select %eq3A_70, %broadcast_in_dim3A_96, %broadcast_in_dim3A_97 : vector<8x8732xi1>, vector<8x8732xf32>
    %reduce_sum3A_99 = arith.constant dense<0.000000e+00> : vector<8732xf32>
    %reduce_sum3A_100 = vector.multi_reduction <add>, %select_n3A_98, %reduce_sum3A_99 [0] : vector<8x8732xf32> to vector<8732xf32>
    %jit3A_101 = arith.constant 0.000000e+00 : f32
    %broadcast_in_dim3A_102 = vector.shape_cast %slice3A_36 : vector<8x1xf32> to vector<8x1xf32>
    %broadcast_in_dim3A_103 = vector.broadcast %broadcast_in_dim3A_102 : vector<8x1xf32> to vector<8x8732xf32>
    %broadcast_in_dim3A_104 = vector.broadcast %jit3A_101 : f32 to vector<8x8732xf32>
    %select_n3A_105 = arith.select %eq3A_70, %broadcast_in_dim3A_103, %broadcast_in_dim3A_104 : vector<8x8732xi1>, vector<8x8732xf32>
    %reduce_sum3A_106 = arith.constant dense<0.000000e+00> : vector<8732xf32>
    %reduce_sum3A_107 = vector.multi_reduction <add>, %select_n3A_105, %reduce_sum3A_106 [0] : vector<8x8732xf32> to vector<8732xf32>
    %jit3A_108 = arith.constant 0.000000e+00 : f32
    %broadcast_in_dim3A_109 = vector.shape_cast %slice3A_37 : vector<8x1xf32> to vector<8x1xf32>
    %broadcast_in_dim3A_110 = vector.broadcast %broadcast_in_dim3A_109 : vector<8x1xf32> to vector<8x8732xf32>
    %broadcast_in_dim3A_111 = vector.broadcast %jit3A_108 : f32 to vector<8x8732xf32>
    %select_n3A_112 = arith.select %eq3A_70, %broadcast_in_dim3A_110, %broadcast_in_dim3A_111 : vector<8x8732xi1>, vector<8x8732xf32>
    %reduce_sum3A_113 = arith.constant dense<0.000000e+00> : vector<8732xf32>
    %reduce_sum3A_114 = vector.multi_reduction <add>, %select_n3A_112, %reduce_sum3A_113 [0] : vector<8x8732xf32> to vector<8732xf32>
    %jit3A_115 = arith.constant 0.000000e+00 : f32
    %broadcast_in_dim3A_116 = vector.shape_cast %slice3A_38 : vector<8x1xf32> to vector<8x1xf32>
    %broadcast_in_dim3A_117 = vector.broadcast %broadcast_in_dim3A_116 : vector<8x1xf32> to vector<8x8732xf32>
    %broadcast_in_dim3A_118 = vector.broadcast %jit3A_115 : f32 to vector<8x8732xf32>
    %select_n3A_119 = arith.select %eq3A_70, %broadcast_in_dim3A_117, %broadcast_in_dim3A_118 : vector<8x8732xi1>, vector<8x8732xf32>
    %reduce_sum3A_120 = arith.constant dense<0.000000e+00> : vector<8732xf32>
    %reduce_sum3A_121 = vector.multi_reduction <add>, %select_n3A_119, %reduce_sum3A_120 [0] : vector<8x8732xf32> to vector<8732xf32>
    %add3A_122 = arith.addf %reduce_sum3A_100, %reduce_sum3A_114 : vector<8732xf32>
    %mul3A_123 = arith.constant 5.000000e-01 : f32
    %mul3A_124 = vector.broadcast %mul3A_123 : f32 to vector<8732xf32>
    %mul3A_125 = arith.mulf %add3A_122, %mul3A_124 : vector<8732xf32>
    %add3A_126 = arith.addf %reduce_sum3A_107, %reduce_sum3A_121 : vector<8732xf32>
    %mul3A_127 = arith.constant 5.000000e-01 : f32
    %mul3A_128 = vector.broadcast %mul3A_127 : f32 to vector<8732xf32>
    %mul3A_129 = arith.mulf %add3A_126, %mul3A_128 : vector<8732xf32>
    %sub3A_130 = arith.subf %reduce_sum3A_114, %reduce_sum3A_100 : vector<8732xf32>
    %sub3A_131 = arith.subf %reduce_sum3A_121, %reduce_sum3A_107 : vector<8732xf32>
    %sub3A_132 = arith.subf %mul3A_125, %get3A_2 : vector<8732xf32>
    %div3A_133 = arith.constant 1.000000e+01 : f32
    %div3A_134 = vector.broadcast %div3A_133 : f32 to vector<8732xf32>
    %div3A_135 = arith.divf %get3A_10, %div3A_134 : vector<8732xf32>
    %div3A_136 = arith.divf %sub3A_132, %div3A_135 : vector<8732xf32>
    %sub3A_137 = arith.subf %mul3A_129, %get3A_6 : vector<8732xf32>
    %div3A_138 = arith.constant 1.000000e+01 : f32
    %div3A_139 = vector.broadcast %div3A_138 : f32 to vector<8732xf32>
    %div3A_140 = arith.divf %get3A_14, %div3A_139 : vector<8732xf32>
    %div3A_141 = arith.divf %sub3A_137, %div3A_140 : vector<8732xf32>
    %div3A_142 = arith.divf %sub3A_130, %get3A_10 : vector<8732xf32>
    %log3A = math.log %div3A_142 : vector<8732xf32>
    %mul3A_143 = arith.constant 5.000000e+00 : f32
    %mul3A_144 = vector.broadcast %mul3A_143 : f32 to vector<8732xf32>
    %mul3A_145 = arith.mulf %log3A, %mul3A_144 : vector<8732xf32>
    %div3A_146 = arith.divf %sub3A_131, %get3A_14 : vector<8732xf32>
    %log3A_147 = math.log %div3A_146 : vector<8732xf32>
    %mul3A_148 = arith.constant 5.000000e+00 : f32
    %mul3A_149 = vector.broadcast %mul3A_148 : f32 to vector<8732xf32>
    %mul3A_150 = arith.mulf %log3A_147, %mul3A_149 : vector<8732xf32>
    %get3A_151 = arith.constant 0 : index
    %get3A_152 = arith.constant 0 : index
    %get3A_153 = arith.constant 0 : index
    %get3A_154 = arith.constant 0 : index
    %get3A_155 = vector.load %arg2[%get3A_151, %get3A_152, %get3A_153, %get3A_154] : memref<4x1x1x8732xf32, #tpu.memory_space<vmem>>, vector<1x1x1x8732xf32>
    %get3A_156 = vector.shape_cast %get3A_155 : vector<1x1x1x8732xf32> to vector<8732xf32>
    %sub3A_157 = arith.subf %get3A_156, %div3A_136 : vector<8732xf32>
    %abs3A = math.absf %sub3A_157 : vector<8732xf32>
    %get3A_158 = arith.constant 1 : index
    %get3A_159 = arith.constant 0 : index
    %get3A_160 = arith.constant 0 : index
    %get3A_161 = arith.constant 0 : index
    %get3A_162 = vector.load %arg2[%get3A_158, %get3A_159, %get3A_160, %get3A_161] : memref<4x1x1x8732xf32, #tpu.memory_space<vmem>>, vector<1x1x1x8732xf32>
    %get3A_163 = vector.shape_cast %get3A_162 : vector<1x1x1x8732xf32> to vector<8732xf32>
    %sub3A_164 = arith.subf %get3A_163, %div3A_141 : vector<8732xf32>
    %abs3A_165 = math.absf %sub3A_164 : vector<8732xf32>
    %add3A_166 = arith.addf %abs3A, %abs3A_165 : vector<8732xf32>
    %get3A_167 = arith.constant 2 : index
    %get3A_168 = arith.constant 0 : index
    %get3A_169 = arith.constant 0 : index
    %get3A_170 = arith.constant 0 : index
    %get3A_171 = vector.load %arg2[%get3A_167, %get3A_168, %get3A_169, %get3A_170] : memref<4x1x1x8732xf32, #tpu.memory_space<vmem>>, vector<1x1x1x8732xf32>
    %get3A_172 = vector.shape_cast %get3A_171 : vector<1x1x1x8732xf32> to vector<8732xf32>
    %sub3A_173 = arith.subf %get3A_172, %mul3A_145 : vector<8732xf32>
    %abs3A_174 = math.absf %sub3A_173 : vector<8732xf32>
    %add3A_175 = arith.addf %add3A_166, %abs3A_174 : vector<8732xf32>
    %get3A_176 = arith.constant 3 : index
    %get3A_177 = arith.constant 0 : index
    %get3A_178 = arith.constant 0 : index
    %get3A_179 = arith.constant 0 : index
    %get3A_180 = vector.load %arg2[%get3A_176, %get3A_177, %get3A_178, %get3A_179] : memref<4x1x1x8732xf32, #tpu.memory_space<vmem>>, vector<1x1x1x8732xf32>
    %get3A_181 = vector.shape_cast %get3A_180 : vector<1x1x1x8732xf32> to vector<8732xf32>
    %sub3A_182 = arith.subf %get3A_181, %mul3A_150 : vector<8732xf32>
    %abs3A_183 = math.absf %sub3A_182 : vector<8732xf32>
    %add3A_184 = arith.addf %add3A_175, %abs3A_183 : vector<8732xf32>
    %jit3A_185 = arith.constant 0.000000e+00 : f32
    %broadcast_in_dim3A_186 = vector.broadcast %jit3A_185 : f32 to vector<8732xf32>
    %select_n3A_187 = arith.select %ne3A_87, %add3A_184, %broadcast_in_dim3A_186 : vector<8732xi1>, vector<8732xf32>
    %reduce_sum3A_188 = vector.shape_cast %select_n3A_187 : vector<8732xf32> to vector<1x8732xf32>
    %reduce_sum3A_189 = arith.constant dense<0.000000e+00> : vector<1xf32>
    %reduce_sum3A_190 = vector.multi_reduction <add>, %reduce_sum3A_188, %reduce_sum3A_189 [1] : vector<1x8732xf32> to vector<1xf32>
    %reduce_sum3A_191 = vector.shape_cast %reduce_sum3A_190 : vector<1xf32> to vector<1x1xf32>
    %reduce_sum3A_192 = vector.extract %reduce_sum3A_191[0, 0] : f32 from vector<1x1xf32>
    %get3A_193 = arith.constant 0 : index
    %get3A_194 = arith.constant 0 : index
    %get3A_195 = arith.constant 0 : index
    %get3A_196 = arith.constant 0 : index
    %get3A_197 = vector.load %arg1[%get3A_193, %get3A_194, %get3A_195, %get3A_196] : memref<81x1x1x8732xf32, #tpu.memory_space<vmem>>, vector<81x1x1x8732xf32>
    %get3A_198 = vector.shape_cast %get3A_197 : vector<81x1x1x8732xf32> to vector<81x8732xf32>
    %reduce_max3A_199 = arith.constant dense<0xFF800000> : vector<8732xf32>
    %reduce_max3A_200 = vector.multi_reduction <maximumf>, %get3A_198, %reduce_max3A_199 [0] : vector<81x8732xf32> to vector<8732xf32>
    %broadcast_in_dim3A_201 = vector.shape_cast %reduce_max3A_200 : vector<8732xf32> to vector<1x8732xf32>
    %sub3A_202 = vector.broadcast %broadcast_in_dim3A_201 : vector<1x8732xf32> to vector<81x8732xf32>
    %sub3A_203 = arith.subf %get3A_198, %sub3A_202 : vector<81x8732xf32>
    %exp3A = math.exp %sub3A_203 : vector<81x8732xf32>
    %reduce_sum3A_204 = arith.constant dense<0.000000e+00> : vector<8732xf32>
    %reduce_sum3A_205 = vector.multi_reduction <add>, %exp3A, %reduce_sum3A_204 [0] : vector<81x8732xf32> to vector<8732xf32>
    %log3A_206 = math.log %reduce_sum3A_205 : vector<8732xf32>
    %add3A_207 = arith.addf %reduce_max3A_200, %log3A_206 : vector<8732xf32>
    %slice3A_208 = vector.extract_strided_slice %get3A_198 {offsets = [0, 0], sizes = [1, 8732], strides = [1, 1]} : vector<81x8732xf32> to vector<1x8732xf32>
    %squeeze3A = vector.shape_cast %slice3A_208 : vector<1x8732xf32> to vector<8732xf32>
    %broadcast_in_dim3A_209 = vector.shape_cast %select_n3A_85 : vector<8732xi32> to vector<1x8732xi32>
    %iota3A_210 = tpu.iota {dimensions = array<i32: 0>} : vector<81x8732xi32>
    %eq3A_211 = vector.broadcast %broadcast_in_dim3A_209 : vector<1x8732xi32> to vector<81x8732xi32>
    %eq3A_212 = arith.cmpi eq, %eq3A_211, %iota3A_210 : vector<81x8732xi32>
    %jit3A_213 = arith.constant 0.000000e+00 : f32
    %broadcast_in_dim3A_214 = vector.broadcast %jit3A_213 : f32 to vector<81x8732xf32>
    %select_n3A_215 = arith.select %eq3A_212, %get3A_198, %broadcast_in_dim3A_214 : vector<81x8732xi1>, vector<81x8732xf32>
    %reduce_sum3A_216 = vector.shape_cast %select_n3A_215 : vector<81x8732xf32> to vector<1x81x8732xf32>
    %reduce_sum3A_217 = arith.constant dense<0.000000e+00> : vector<1xf32>
    %reduce_sum3A_218 = vector.multi_reduction <add>, %reduce_sum3A_216, %reduce_sum3A_217 [1, 2] : vector<1x81x8732xf32> to vector<1xf32>
    %reduce_sum3A_219 = vector.shape_cast %reduce_sum3A_218 : vector<1xf32> to vector<1x1x1xf32>
    %reduce_sum3A_220 = vector.extract %reduce_sum3A_219[0, 0, 0] : f32 from vector<1x1x1xf32>
    %jit3A_221 = arith.constant 0.000000e+00 : f32
    %broadcast_in_dim3A_222 = vector.broadcast %jit3A_221 : f32 to vector<8732xf32>
    %select_n3A_223 = arith.select %ne3A_87, %broadcast_in_dim3A_222, %squeeze3A : vector<8732xi1>, vector<8732xf32>
    %reduce_sum3A_224 = vector.shape_cast %select_n3A_223 : vector<8732xf32> to vector<1x8732xf32>
    %reduce_sum3A_225 = arith.constant dense<0.000000e+00> : vector<1xf32>
    %reduce_sum3A_226 = vector.multi_reduction <add>, %reduce_sum3A_224, %reduce_sum3A_225 [1] : vector<1x8732xf32> to vector<1xf32>
    %reduce_sum3A_227 = vector.shape_cast %reduce_sum3A_226 : vector<1xf32> to vector<1x1xf32>
    %reduce_sum3A_228 = vector.extract %reduce_sum3A_227[0, 0] : f32 from vector<1x1xf32>
    %jit3A_229 = arith.constant 0.000000e+00 : f32
    %broadcast_in_dim3A_230 = vector.broadcast %jit3A_229 : f32 to vector<8732xf32>
    %select_n3A_231 = arith.select %ne3A_87, %add3A_207, %broadcast_in_dim3A_230 : vector<8732xi1>, vector<8732xf32>
    %reduce_sum3A_232 = vector.shape_cast %select_n3A_231 : vector<8732xf32> to vector<1x8732xf32>
    %reduce_sum3A_233 = arith.constant dense<0.000000e+00> : vector<1xf32>
    %reduce_sum3A_234 = vector.multi_reduction <add>, %reduce_sum3A_232, %reduce_sum3A_233 [1] : vector<1x8732xf32> to vector<1xf32>
    %reduce_sum3A_235 = vector.shape_cast %reduce_sum3A_234 : vector<1xf32> to vector<1x1xf32>
    %reduce_sum3A_236 = vector.extract %reduce_sum3A_235[0, 0] : f32 from vector<1x1xf32>
    %sub3A_237 = arith.subf %reduce_sum3A_220, %reduce_sum3A_228 : f32
    %sub3A_238 = arith.subf %reduce_sum3A_236, %sub3A_237 : f32
    %sub3A_239 = arith.subf %add3A_207, %squeeze3A : vector<8732xf32>
    %jit3A_240 = arith.constant 0.000000e+00 : f32
    %broadcast_in_dim3A_241 = vector.broadcast %jit3A_240 : f32 to vector<8732xf32>
    %select_n3A_242 = arith.select %ne3A_87, %broadcast_in_dim3A_241, %sub3A_239 : vector<8732xi1>, vector<8732xf32>
    %jit3A_243 = arith.constant 0 : i32
    %convert_element_type3A_244 = arith.sitofp %jit3A_243 : i32 to f32
    %pad3A = vector.broadcast %convert_element_type3A_244 : f32 to vector<228xf32>
    %pad3A_245 = tpu.concatenate %select_n3A_242, %pad3A in 0 : vector<8732xf32>, vector<228xf32> -> vector<8960xf32>
    %swap3A = arith.constant 0 : index
    %swap3A_246 = arith.constant 0 : index
    %swap3A_247 = arith.constant 0 : index
    %swap3A_248 = vector.load %arg6[%swap3A, %swap3A_246, %swap3A_247] : memref<1x1x8960xf32, #tpu.memory_space<vmem>>, vector<1x1x8960xf32>
    %swap3A_249 = vector.shape_cast %swap3A_248 : vector<1x1x8960xf32> to vector<8960xf32>
    %swap3A_250 = vector.shape_cast %pad3A_245 : vector<8960xf32> to vector<1x1x8960xf32>
    tpu.vector_store %arg6[%swap3A, %swap3A_246, %swap3A_247], %swap3A_250 {strides = array<i32>} : memref<1x1x8960xf32, #tpu.memory_space<vmem>>, vector<1x1x8960xf32>,
    %iota3A_251 = tpu.iota {dimensions = array<i32: 1>} : vector<1x128xi32>
    %iota3A_252 = vector.shape_cast %iota3A_251 : vector<1x128xi32> to vector<128xi32>
    %eq3A_253 = arith.constant 0 : i32
    %eq3A_254 = vector.broadcast %eq3A_253 : i32 to vector<128xi32>
    %eq3A_255 = arith.cmpi eq, %iota3A_252, %eq3A_254 : vector<128xi32>
    %eq3A_256 = arith.constant 1 : i32
    %eq3A_257 = vector.broadcast %eq3A_256 : i32 to vector<128xi32>
    %eq3A_258 = arith.cmpi eq, %iota3A_252, %eq3A_257 : vector<128xi32>
    %eq3A_259 = arith.constant 2 : i32
    %eq3A_260 = vector.broadcast %eq3A_259 : i32 to vector<128xi32>
    %eq3A_261 = arith.cmpi eq, %iota3A_252, %eq3A_260 : vector<128xi32>
    %jit3A_262 = arith.constant 0.000000e+00 : f32
    %broadcast_in_dim3A_263 = vector.broadcast %reduce_sum3A_192 : f32 to vector<128xf32>
    %broadcast_in_dim3A_264 = vector.broadcast %jit3A_262 : f32 to vector<128xf32>
    %select_n3A_265 = arith.select %eq3A_261, %broadcast_in_dim3A_263, %broadcast_in_dim3A_264 : vector<128xi1>, vector<128xf32>
    %broadcast_in_dim3A_266 = vector.broadcast %sub3A_238 : f32 to vector<128xf32>
    %select_n3A_267 = arith.select %eq3A_258, %broadcast_in_dim3A_266, %select_n3A_265 : vector<128xi1>, vector<128xf32>
    %broadcast_in_dim3A_268 = vector.broadcast %reduce_sum3A_93 : f32 to vector<128xf32>
    %select_n3A_269 = arith.select %eq3A_255, %broadcast_in_dim3A_268, %select_n3A_267 : vector<128xi1>, vector<128xf32>
    %swap3A_270 = arith.constant 0 : index
    %swap3A_271 = arith.constant 0 : index
    %swap3A_272 = arith.constant 0 : index
    %swap3A_273 = vector.load %arg7[%swap3A_270, %swap3A_271, %swap3A_272] : memref<1x1x128xf32, #tpu.memory_space<vmem>>, vector<1x1x128xf32>
    %swap3A_274 = vector.shape_cast %swap3A_273 : vector<1x1x128xf32> to vector<128xf32>
    %swap3A_275 = vector.shape_cast %select_n3A_269 : vector<128xf32> to vector<1x1x128xf32>
    tpu.vector_store %arg7[%swap3A_270, %swap3A_271, %swap3A_272], %swap3A_275 {strides = array<i32>} : memref<1x1x128xf32, #tpu.memory_space<vmem>>, vector<1x1x128xf32>,
    return
  }
  func.func @transform_0(%arg0: i32) -> (i32, i32, i32, i32) {
    %c0_i32 = arith.constant 0 : i32
    %c0_i32_0 = arith.constant 0 : i32
    %c0_i32_1 = arith.constant 0 : i32
    %c0_i32_2 = arith.constant 0 : i32
    return %c0_i32, %arg0, %c0_i32_0, %c0_i32_1 : i32, i32, i32, i32
  }
  func.func @transform_1(%arg0: i32) -> (i32, i32, i32, i32) {
    %c0_i32 = arith.constant 0 : i32
    %c0_i32_0 = arith.constant 0 : i32
    %c0_i32_1 = arith.constant 0 : i32
    %c0_i32_2 = arith.constant 0 : i32
    return %c0_i32, %arg0, %c0_i32_0, %c0_i32_1 : i32, i32, i32, i32
  }
  func.func @transform_2(%arg0: i32) -> (i32, i32, i32) {
    %c0_i32 = arith.constant 0 : i32
    %c0_i32_0 = arith.constant 0 : i32
    %c0_i32_1 = arith.constant 0 : i32
    return %arg0, %c0_i32, %c0_i32_0 : i32, i32, i32
  }
  func.func @transform_3(%arg0: i32) -> (i32, i32, i32) {
    %c0_i32 = arith.constant 0 : i32
    %c0_i32_0 = arith.constant 0 : i32
    %c0_i32_1 = arith.constant 0 : i32
    return %arg0, %c0_i32, %c0_i32_0 : i32, i32, i32
  }
  func.func @transform_4(%arg0: i32) -> (i32, i32) {
    %c0_i32 = arith.constant 0 : i32
    %c0_i32_0 = arith.constant 0 : i32
    %c0_i32_1 = arith.constant 0 : i32
    return %c0_i32, %c0_i32_0 : i32, i32
  }
  func.func @transform_5(%arg0: i32) -> (i32, i32, i32) {
    %c0_i32 = arith.constant 0 : i32
    %c0_i32_0 = arith.constant 0 : i32
    %c0_i32_1 = arith.constant 0 : i32
    return %arg0, %c0_i32, %c0_i32_0 : i32, i32, i32
  }
  func.func @transform_6(%arg0: i32) -> (i32, i32, i32) {
    %c0_i32 = arith.constant 0 : i32
    %c0_i32_0 = arith.constant 0 : i32
    %c0_i32_1 = arith.constant 0 : i32
    return %arg0, %c0_i32, %c0_i32_0 : i32, i32, i32
  }
}

module attributes {stable_mosaic.version = 14 : i64} {
  func.func @_fin_body(%arg0: memref<32x128xf32, #tpu.memory_space<vmem>>, %arg1: memref<32x16xf32, #tpu.memory_space<vmem>>, %arg2: memref<1x128xf32, #tpu.memory_space<vmem>>) attributes {dimension_semantics = [], scalar_prefetch = 0 : i64, scratch_operands = 0 : i64, tpu.core_type = #tpu.core_type<tc>} {
    %get3A = arith.constant 0 : index
    %get3A_0 = arith.constant 0 : index
    %get3A_1 = vector.load %arg0[%get3A, %get3A_0] : memref<32x128xf32, #tpu.memory_space<vmem>>, vector<32x128xf32>
    %slice3A = vector.extract_strided_slice %get3A_1 {offsets = [0, 0], sizes = [32, 1], strides = [1, 1]} : vector<32x128xf32> to vector<32x1xf32>
    %squeeze3A = vector.shape_cast %slice3A : vector<32x1xf32> to vector<32xf32>
    %reduce_sum3A = vector.shape_cast %squeeze3A : vector<32xf32> to vector<1x32xf32>
    %reduce_sum3A_2 = arith.constant dense<0.000000e+00> : vector<1xf32>
    %reduce_sum3A_3 = vector.multi_reduction <add>, %reduce_sum3A, %reduce_sum3A_2 [1] : vector<1x32xf32> to vector<1xf32>
    %reduce_sum3A_4 = vector.shape_cast %reduce_sum3A_3 : vector<1xf32> to vector<1x1xf32>
    %reduce_sum3A_5 = vector.extract %reduce_sum3A_4[0, 0] : f32 from vector<1x1xf32>
    %slice3A_6 = vector.extract_strided_slice %get3A_1 {offsets = [0, 1], sizes = [32, 1], strides = [1, 1]} : vector<32x128xf32> to vector<32x1xf32>
    %squeeze3A_7 = vector.shape_cast %slice3A_6 : vector<32x1xf32> to vector<32xf32>
    %reduce_sum3A_8 = vector.shape_cast %squeeze3A_7 : vector<32xf32> to vector<1x32xf32>
    %reduce_sum3A_9 = arith.constant dense<0.000000e+00> : vector<1xf32>
    %reduce_sum3A_10 = vector.multi_reduction <add>, %reduce_sum3A_8, %reduce_sum3A_9 [1] : vector<1x32xf32> to vector<1xf32>
    %reduce_sum3A_11 = vector.shape_cast %reduce_sum3A_10 : vector<1xf32> to vector<1x1xf32>
    %reduce_sum3A_12 = vector.extract %reduce_sum3A_11[0, 0] : f32 from vector<1x1xf32>
    %slice3A_13 = vector.extract_strided_slice %get3A_1 {offsets = [0, 2], sizes = [32, 1], strides = [1, 1]} : vector<32x128xf32> to vector<32x1xf32>
    %squeeze3A_14 = vector.shape_cast %slice3A_13 : vector<32x1xf32> to vector<32xf32>
    %reduce_sum3A_15 = vector.shape_cast %squeeze3A_14 : vector<32xf32> to vector<1x32xf32>
    %reduce_sum3A_16 = arith.constant dense<0.000000e+00> : vector<1xf32>
    %reduce_sum3A_17 = vector.multi_reduction <add>, %reduce_sum3A_15, %reduce_sum3A_16 [1] : vector<1x32xf32> to vector<1xf32>
    %reduce_sum3A_18 = vector.shape_cast %reduce_sum3A_17 : vector<1xf32> to vector<1x1xf32>
    %reduce_sum3A_19 = vector.extract %reduce_sum3A_18[0, 0] : f32 from vector<1x1xf32>
    %get3A_20 = arith.constant 0 : index
    %get3A_21 = arith.constant 0 : index
    %get3A_22 = vector.load %arg1[%get3A_20, %get3A_21] : memref<32x16xf32, #tpu.memory_space<vmem>>, vector<32x1xf32>
    %get3A_23 = vector.shape_cast %get3A_22 : vector<32x1xf32> to vector<32xf32>
    %reduce_sum3A_24 = vector.shape_cast %get3A_23 : vector<32xf32> to vector<1x32xf32>
    %reduce_sum3A_25 = arith.constant dense<0.000000e+00> : vector<1xf32>
    %reduce_sum3A_26 = vector.multi_reduction <add>, %reduce_sum3A_24, %reduce_sum3A_25 [1] : vector<1x32xf32> to vector<1xf32>
    %reduce_sum3A_27 = vector.shape_cast %reduce_sum3A_26 : vector<1xf32> to vector<1x1xf32>
    %reduce_sum3A_28 = vector.extract %reduce_sum3A_27[0, 0] : f32 from vector<1x1xf32>
    %add3A = arith.addf %reduce_sum3A_28, %reduce_sum3A_12 : f32
    %div3A = arith.divf %add3A, %reduce_sum3A_5 : f32
    %mul3A = arith.constant 4.000000e+00 : f32
    %mul3A_29 = arith.mulf %reduce_sum3A_5, %mul3A : f32
    %div3A_30 = arith.divf %reduce_sum3A_19, %mul3A_29 : f32
    %add3A_31 = arith.addf %div3A, %div3A_30 : f32
    %broadcast_in_dim3A = vector.broadcast %add3A_31 : f32 to vector<128xf32>
    %swap3A = arith.constant 0 : index
    %swap3A_32 = arith.constant 0 : index
    %swap3A_33 = vector.load %arg2[%swap3A, %swap3A_32] : memref<1x128xf32, #tpu.memory_space<vmem>>, vector<1x128xf32>
    %swap3A_34 = vector.shape_cast %swap3A_33 : vector<1x128xf32> to vector<128xf32>
    %swap3A_35 = vector.shape_cast %broadcast_in_dim3A : vector<128xf32> to vector<1x128xf32>
    tpu.vector_store %arg2[%swap3A, %swap3A_32], %swap3A_35 {strides = array<i32>} : memref<1x128xf32, #tpu.memory_space<vmem>>, vector<1x128xf32>,
    return
  }
}

</mosaic_0001>

<sc_bundles>
// kernel: kernel.5.cloned.1.call-start
scs
__scs_entry_jumppad:
0x0: {  	(pc) =	sbr.rel $0x88, $3  }
0x1: {  	(tag) =	ssettag $0x0;
	lr =	simm.s32 $0x1  }
0x2: {  	[smem:$0x3F9C] =	sst lr;
	_ =	strace $0xD0000000  }
0x3: {  	_ = 	snop  }
0x4: {  	_ = 	snop  }
0x5: {  	_ = 	snop  }
0x6: {  	_ = 	snop  }
0x7: {  	_ = 	snop  }
__scs_overlays_trampoline_lowered:
0x8: {  	[smem:$0x3FAB] =	sst s0  }
0x9: {  	[smem:$0x3FAC] =	sst s1  }
0xa: {  	[smem:$0x3FAD] =	sst s2  }
0xb: {  	[smem:$0x3FAE] =	sst s3  }
0xc: {  	[smem:$0x3FAF] =	sst s4  }
0xd: {  	[smem:$0x3FB0] =	sst s5  }
0xe: {  	[smem:$0x3FB1] =	sst s6  }
0xf: {  	[smem:$0x3FB2] =	sst s7  }
0x10: {  	[smem:$0x3FB3] =	sst s8  }
0x11: {  	[smem:$0x3FB4] =	sst s9;
	s0 =	simm.s32 @!p0 $0x0  }
0x12: {  	s1 =	sld [smem:$0x3F9A];
	s0 =	simm.s32 @p0 $0x1  }
0x13: {  	[smem:$0x3FB5] =	sst s0;
	s0 =	simm.s32 @!p1 $0x0  }
0x14: {  	s2 =	sld [smem:$0x3F99];
	s0 =	simm.s32 @p1 $0x1  }
0x15: {  	[smem:$0x3FB6] =	sst s0;
	s0 =	simm.s32 @!p2 $0x0  }
0x16: {  	s3 =	sld [smem:$0x3FDB];
	s0 =	simm.s32 @p2 $0x1  }
0x17: {  	s4 =	simm.s32 $0x1BF5;
	[smem:$0x3FB8] =	sst s0  }
0x18: {  	s0 =	sld [smem:$0x3F9B];
	_ =	swait.ge [sflag:s4], $0x0  }
0x19: {  	s7 =	sld [smem:$0x3F9C]  }
0x1a: {  	s8 =	sadd.s32 $0xFFFFE003, lr  }
0x1b: {  	s9 =	sadd.s32 $0xFFFFFEF7, lr;
	s5 =	simm.s32 $0xFFFFFFFF;
	p2 =	slt.u32 s8, $0xFFFFF086  }
0x1c: {  	p1 =	slt.u32 s9, $0xF7A;
	s5 =	simm.s32 @!p2 $0x0  }
0x1d: {  	s5 =	simm.s32 @p1 $0x1;
	p0 =	seq.s32 s7, s2  }
0x1e: {  	s7 =	smul.u32 @!p0 $0xF7A, s2;
	p2 =	seq.s32 @!p0 s5, $0x0  }
0x1f: {  	s9 =	smul.u32 $0xF7A, s1;
	s8 =	simm.s32 @!p0 $0x1BF5;
	p2 =	por !p2, p0  }
0x20: {  	[sflag:s8] =	ssyncset.s32 @!p0 $0xFFFFF086;
	s6 =	sadd.s32 @!p0 s3, s7;
	s7 =	simm.s32 @!p0 $0x108  }
0x21: {  	s3 =	sadd.s32 s3, s9;
	s6 =	sadd.s32 @!p0 $0x88, s6;
	s7 =	simm.s32 @p2 $0x1082  }
0x22: {  	[simem:s7], [sflag:s8] =	dma.local @!p0 [hbm:s6], $0xF7A  }
0x23: {  	s9 =	sor.u32 $0xD0000000, s2;
	s6 =	simm.s32 $0x108;
	_ =	swait.ge @!p0 [sflag:s8], $0x0  }
0x24: {  	s3 =	sadd.s32 $0x88, s3;
	s6 =	simm.s32 @!p1 $0x1082;
	[sflag:s4] =	ssyncset.s32 $0xFFFFF086  }
0x25: {  	[simem:s6], [sflag:s4] =	dma.local [hbm:s3], $0xF7A  }
0x26: {  	[smem:$0x3F9C] =	sst s1;
	(tag) =	ssettag s2;
	_ =	strace s9  }
0x27: {  	s1 =	sld [smem:$0x3FAC]  }
0x28: {  	s2 =	sld [smem:$0x3FAD]  }
0x29: {  	s4 =	sld [smem:$0x3FAF]  }
0x2a: {  	p0 =	seq.s32 s5, $0x0;
	s5 =	sld [smem:$0x3FB0]  }
0x2b: {  	s6 =	sld [smem:$0x3FB1]  }
0x2c: {  	s7 =	sld [smem:$0x3FB2]  }
0x2d: {  	s3 =	simm.s32 $0x108;
	s8 =	sld [smem:$0x3FB3]  }
0x2e: {  	s3 =	simm.s32 @!p0 $0x1082;
	s9 =	sld [smem:$0x3FB4]  }
0x2f: {  	lr =	sadd.s32 s0, s3;
	s0 =	sld [smem:$0x3FAB]  }
0x30: {  	s3 =	sld [smem:$0x3FAE]  }
0x31: {  	[smem:$0x3FB7] =	sst s10  }
0x32: {  	s10 =	sld [smem:$0x3FB5];
	_ =	sdelay $0x3  }
0x33: {  	p0 =	seq.s32 s10, $0x1;
	s10 =	sld [smem:$0x3FB7];
	_ =	sdelay $0x3  }
0x34: {  	[smem:$0x3FB7] =	sst s10  }
0x35: {  	s10 =	sld [smem:$0x3FB6];
	_ =	sdelay $0x3  }
0x36: {  	p1 =	seq.s32 s10, $0x1;
	s10 =	sld [smem:$0x3FB7];
	_ =	sdelay $0x3  }
0x37: {  	[smem:$0x3FB7] =	sst s10  }
0x38: {  	s10 =	sld [smem:$0x3FB8]  }
0x39: {  	_ = 	snop;
	(pc) =	sbr.ind lr, $3  }
0x3a: {  	_ = 	snop  }
0x3b: {  	_ = 	snop  }
0x3c: {  	p2 =	seq.s32 s10, $0x1;
	s10 =	sld [smem:$0x3FB7]  }
0x3d: {  	_ =	shalt  }
0x3e: {  	_ =	shalt  }
0x3f: {  	_ =	shalt  }
0x40: {  	_ =	shalt  }
0x41: {  	_ =	shalt  }
0x42: {  	_ =	shalt  }
0x43: {  	_ =	shalt  }
0x44: {  	_ =	shalt  }
0x45: {  	_ =	shalt  }
0x46: {  	_ =	shalt  }
0x47: {  	_ =	shalt  }
0x48: {  	_ =	shalt  }
0x49: {  	_ =	shalt  }
0x4a: {  	_ =	shalt  }
0x4b: {  	_ =	shalt  }
0x4c: {  	_ =	shalt  }
0x4d: {  	_ =	shalt  }
0x4e: {  	_ =	shalt  }
0x4f: {  	_ =	shalt  }
0x50: {  	_ =	shalt  }
0x51: {  	_ =	shalt  }
0x52: {  	_ =	shalt  }
0x53: {  	_ =	shalt  }
0x54: {  	_ =	shalt  }
0x55: {  	_ =	shalt  }
0x56: {  	_ =	shalt  }
0x57: {  	_ =	shalt  }
0x58: {  	_ =	shalt  }
0x59: {  	_ =	shalt  }
0x5a: {  	_ =	shalt  }
0x5b: {  	_ =	shalt  }
0x5c: {  	_ =	shalt  }
0x5d: {  	_ =	shalt  }
0x5e: {  	_ =	shalt  }
0x5f: {  	_ =	shalt  }
0x60: {  	_ =	shalt  }
0x61: {  	_ =	shalt  }
0x62: {  	_ =	shalt  }
0x63: {  	_ =	shalt  }
0x64: {  	_ =	shalt  }
0x65: {  	_ =	shalt  }
0x66: {  	_ =	shalt  }
0x67: {  	_ =	shalt  }
0x68: {  	_ =	shalt  }
0x69: {  	_ =	shalt  }
0x6a: {  	_ =	shalt  }
0x6b: {  	_ =	shalt  }
0x6c: {  	_ =	shalt  }
0x6d: {  	_ =	shalt  }
0x6e: {  	_ =	shalt  }
0x6f: {  	_ =	shalt  }
0x70: {  	_ =	shalt  }
0x71: {  	_ =	shalt  }
0x72: {  	_ =	shalt  }
0x73: {  	_ =	shalt  }
0x74: {  	_ =	shalt  }
0x75: {  	_ =	shalt  }
0x76: {  	_ =	shalt  }
0x77: {  	_ =	shalt  }
0x78: {  	_ =	shalt  }
0x79: {  	_ =	shalt  }
0x7a: {  	_ =	shalt  }
0x7b: {  	_ =	shalt  }
0x7c: {  	_ =	shalt  }
0x7d: {  	_ =	shalt  }
0x7e: {  	_ =	shalt  }
0x7f: {  	_ =	shalt  }
0x80: {  	_ =	shalt  }
0x81: {  	_ =	shalt  }
0x82: {  	_ =	shalt  }
0x83: {  	_ =	shalt  }
0x84: {  	_ =	shalt  }
0x85: {  	_ =	shalt  }
0x86: {  	_ =	shalt  }
0x87: {  	_ =	shalt  }
.Lfunc_end0:
.L_simem_size_0:
called_computation_lowered:
.L_overlay_start_0:
0x88: {  	s2 =	sld [smem:$0x3FD9]  }
0x89: {  	s3 =	sld [smem:$0x3FFE];
	_ =	sdelay $0x1  }
0x8a: {  	s1 =	srdreg.scid  }
0x8b: {  	s0 =	sand.u32 $0x1, s1  }
0x8c: {  	s16 =	sshll.u32 s0, $0xA;
	s2 =	sadd.s32 s3, s2  }
0x8d: {  	s2 =	sadd.s32 s2, s16  }
0x8e: {  	[smem:$0x3FC3] =	sst s2  }
0x8f: {  	_ = 	snop  }
0x90: {  	(tm) =	ssettm $0x1  }
0x91: {  	s17 =	sld [smem:$0x3FFB];
	_ =	sdelay $0x3  }
0x92: {  	_ =	strace s17  }
0x93: {  	s2 =	sld [smem:$0x3FFC];
	_ =	sdelay $0x3  }
0x94: {  	_ =	strace s2  }
0x95: {  	s2 =	sld [smem:$0x3FFD];
	_ =	sdelay $0x3  }
0x96: {  	_ =	strace s2  }
0x97: {  	_ =	strace $0x8FFFFFFF  }
0x98: {  	s18 =	sld [smem:$0x3FDB];
	_ =	sdelay $0x1  }
0x99: {  	s19 =	simm.s32 $_scs_section_size  }
0x9a: {  	s4 =	simm.s32 $_size__tile_overlayer_lowered;
	s5 =	simm.s32 $_tile_overlayer_lowered  }
0x9b: {  	s22 =	simm.s32 $0x1BFF;
	s21 =	sshll.u32 s5, $0x1;
	s2 =	sadd.s32 s19, s18  }
0x9c: {  	s6 =	simm.s32 $0x0;
	s20 =	sshll.u32 s4, $0x1;
	s4 =	sadd.s32 s21, s2  }
0x9d: {  	[timem:s6], [sflag:s22] =	dma.local [hbm:s4], s20  }
0x9e: {  	_ =	swait.ge [sflag:s22], s20  }
0x9f: {  	s3 =	ssub.s32 $0x0, s20;
	[sflag:s22] =	ssyncset.done $0x0  }
0xa0: {  	[sflag:s22] =	ssyncadd.s32 s3;
	_ =	sdelay $0x1  }
0xa1: {  	s23 =	simm.s32 $0x1B8B  }
0xa2: {  	_ =	swait.ge [sflag:s23], $0x1  }
0xa3: {  	[sflag:s23] =	ssyncset.done $0x0  }
0xa4: {  	s25 =	simm.s32 $0x1B8E;
	s24 =	sld [smem:$0x3FFE];
	[sflag:s23] =	ssyncadd.s32 $0xFFFFFFFF  }
0xa5: {  	s26 =	simm.s32 $execute0_lowered;
	[smem:$0x3FD2] =	sst s25  }
0xa6: {  	s4 =	sshll.u32 s26, $0x1;
	_ =	strace $0x80000046;
	[dreg:$0x1] =	wrdreg $0xFFFFFFFF  }
0xa7: {  	s28 =	simm.s32 $_size_execute0_lowered;
	s2 =	sadd.s32 s2, s4;
	[dreg:$0x0] =	wrdreg $0x0  }
0xa8: {  	s4 =	sshll.u32 s28, $0x1;
	[dreg:$0x2] =	wrdreg s2  }
0xa9: {  	[dreg:$0x3] =	wrdreg s4  }
0xaa: {  	[dreg:$0x4] =	wrdreg $0xC0  }
0xab: {  	_ =	task [dreg:s6], $0x5FFFF  }
0xac: {  	[dreg:$0x1] =	wrdreg $0xFFFFFFFF  }
0xad: {  	[dreg:$0x0] =	wrdreg $0x60  }
0xae: {  	[dreg:$0x2] =	wrdreg s24  }
0xaf: {  	[dreg:$0x3] =	wrdreg $0x9  }
0xb0: {  	_ =	task.clear_ibuf [dreg:s6], $0x4FFFF;
	_ =	strace $0x90000046  }
0xb1: {  	s29 =	simm.s32 $0x9;
	_ =	strace $0x80000048  }
0xb2: {  	_ =	swait.ge [sflag:s29], $0x1  }
0xb3: {  	[sflag:s29] =	ssyncadd.s32 $0xFFFFFFFF  }
0xb4: {  	_ =	strace $0x90000048  }
0xb5: {  	_ =	sfence  }
0xb6: {  	s30 =	sld [smem:$0x0];
	_ =	sdelay $0x2  }
0xb7: {  	s31 =	sshll.u32 s1, $0xD;
	s1 =	sshrl.u32 s1, $0x2  }
0xb8: {  	s3 =	sand.u32 $0x4000, s31;
	s1 =	sadd.s32 s1, s30  }
0xb9: {  	s0 =	sor.u32 s3, s0;
	s1 =	sshll.u32 s1, $0x11  }
0xba: {  	s0 =	sor.u32 s1, s0  }
0xbb: {  	s0 =	sadd.s32 $0x8F2B, s0  }
0xbc: {  	[sflag:s0] =	ssyncadd.remote.s32 $0x1  }
0xbd: {  	_ =	sfence.sel $0xFFFF  }
0xbe: {  	[dreg:$0x0] =	wrdreg $0xFFFFFFFF;
	(pc) =	sbr.abs _section_cstart, $3  }
0xbf: {  	[dreg:$0x1] =	wrdreg $0xFFFFFFFF  }
0xc0: {  	_ =	task.clear_ibuf [dreg:s6], $0x2FFFF;
	_ =	strace $0x9FFFFFFF  }
0xc1: {  	(tm) =	ssettm $0x7FFFFFFF  }
tec
execute0_lowered:
.L_overlay_start_1:
0x0: {  	(tag) =	ssettag $0x1  }
0x1: {  	s3 =	rddreg [dreg:$0x0]  }
0x2: {  	s0 =	rddreg [dreg:$0x1];
	s2 =	simm.s32 $0x0;
	s4 =	srdreg.scid  }
0x3: {  	s1 =	stileid.u32;
	s9 =	simm.s32 $0x1;
	s10 =	simm.s32 $0x2300  }
0x4: {  	s11 =	simm.s32 $0x2380;
	s12 =	simm.s32 $0x0;
	s4 =	sand.u32 $0x1, s4  }
0x5: {  	s5 =	sshrl.u32 s1, $0x2;
	s6 =	sshll.u32 s1, $0x8;
	[smem:$0x7FF] =	sst s2  }
0x6: {  	s7 =	smul.u32 $0x11800, s5;
	s8 =	sshll.u32 s4, $0x7;
	s6 =	sand.u32 $0x300, s6  }
0x7: {  	_ =	strace $0x80000047;
	s5 =	sshll.u32 s5, $0xA;
	s6 =	sor.u32 s8, s6  }
0x8: {  	s4 =	ssub.s32 $0x2, s4;
	s7 =	sor.u32 s7, s6;
	s5 =	sor.u32 s5, s6  }
0x9: {  	s31 =	sshrl.u32 s4, $0x1;
	s7 =	sshrl.u32 s7, $0x3;
	s5 =	sshrl.u32 s5, $0x3  }
0xa: {  	s8 =	simm.s32 $0x400;
	s30 =	sadd.s32 s7, s3;
	s5 =	sadd.s32 s5, s3  }
0xb: {  	s7 =	ssub.s32 s4, s31;
	s3 =	sadd.s32 $0x1000, s30;
	s4 =	sadd.s32 $0xE00, s5  }
0xc: {  	s5 =	sadd.s32 $0x9C00, s5;
	s6 =	smax.u32 s7, $0x1;
	s7 =	simm.s32 $0x80  }
.LBB2_1:
0xd: {  	[tilespmem:s2], [sflag:$0x1] =	stream.strided.gather [hbm4b:s3+s7], $0x2300, s8, s7, $0x38;
	[tilespmem:$0x2400] =	vst v63  }
0xe: {  	_ =	swait.ge [sflag:s9], $0x2300  }
0xf: {  	[sflag:s9] =	ssyncset.done $0x0  }
0x10: {  	[sflag:s9] =	ssyncadd.s32 $0xFFFFDD00  }
0x11: {  	[tilespmem:s10], [sflag:$0x1] =	stream.linear.gather [hbm4b:s4+s2], $0x80, $0x38;
	[tilespmem:$0x2400] =	vst v63  }
0x12: {  	_ =	swait.ge [sflag:s9], $0x80  }
0x13: {  	[sflag:s9] =	ssyncset.done $0x0  }
0x14: {  	[sflag:s9] =	ssyncadd.s32 $0xFFFFFF80  }
0x15: {  	v0 =	vld [tilespmem:$0x2300];
	_ =	sdelay $0x4  }
0x16: {  	(v2sf) =	vpush v0, $0x0;
	_ =	sdelay $0xe  }
0x17: {  	s13 =	spop (v2sf)  }
0x18: {  	s13 =	smul.f32 $3.000000000e+00, s13;
	_ =	sdelay $0x1  }
0x19: {  	s13 =	scvt.f32.s32 s13  }
0x1a: {  	v2 =	vimm.s32 $0x0  }
0x1b: {  	v3 =	vimm.s32 $0x7F7FFFFF;
	s14 =	simm.s32 $0x0;
	v0 =	vimm.s32 $0x0;
	v1 =	vmov s13  }
.LBB2_2:
0x1c: {  	s17 =	simm.s32 $0x0  }
0x1d: {  	v5 =	vld [tilespmem:s17+$0x0]  }
0x1e: {  	v4 =	vsub.s32 v3, v0;
	v6 =	vld [tilespmem:s17+$0x10]  }
0x1f: {  	v4 =	vadd.s32 $0x1, v4;
	v7 =	vld [tilespmem:s17+$0x20]  }
0x20: {  	v8 =	vld [tilespmem:s17+$0x30];
	v4 =	vshrl.u32 v4, $0x1  }
0x21: {  	v9 =	vld [tilespmem:s17+$0x40];
	v4 =	vadd.s32 v0, v4  }
0x22: {  	vm0 =	vge.f32 v5, v4;
	v5 =	vld [tilespmem:s17+$0x50]  }
0x23: {  	v10 =	vmpcnt.ones.xlane vm0;
	vm0 =	vge.f32 v6, v4;
	v6 =	vld [tilespmem:s17+$0x60]  }
0x24: {  	v11 =	vmpcnt.ones.xlane vm0;
	vm0 =	vge.f32 v7, v4;
	v7 =	vld [tilespmem:s17+$0x70]  }
0x25: {  	v10 =	vadd.s32 v2, v10;
	v12 =	vmpcnt.ones.xlane vm0;
	vm0 =	vge.f32 v8, v4;
	v8 =	vld [tilespmem:s17+$0x80]  }
0x26: {  	v10 =	vadd.s32 v11, v10;
	v11 =	vmpcnt.ones.xlane vm0;
	vm0 =	vge.f32 v9, v4;
	v9 =	vld [tilespmem:s17+$0x90]  }
0x27: {  	v13 =	vld [tilespmem:s17+$0xA0];
	v10 =	vadd.s32 v12, v10;
	v12 =	vmpcnt.ones.xlane vm0;
	vm0 =	vge.f32 v5, v4  }
0x28: {  	v5 =	vld [tilespmem:s17+$0xB0];
	v10 =	vadd.s32 v11, v10;
	v11 =	vmpcnt.ones.xlane vm0;
	vm0 =	vge.f32 v6, v4  }
0x29: {  	v6 =	vld [tilespmem:s17+$0xC0];
	v10 =	vadd.s32 v12, v10;
	v12 =	vmpcnt.ones.xlane vm0;
	vm0 =	vge.f32 v7, v4  }
0x2a: {  	v7 =	vld [tilespmem:s17+$0xD0];
	v10 =	vadd.s32 v11, v10;
	v11 =	vmpcnt.ones.xlane vm0;
	vm0 =	vge.f32 v8, v4  }
0x2b: {  	v8 =	vld [tilespmem:s17+$0xE0];
	v12 =	vadd.s32 v12, v10;
	v10 =	vmpcnt.ones.xlane vm0;
	vm0 =	vge.f32 v9, v4  }
0x2c: {  	s15 =	simm.s32 $0x100;
	s16 =	simm.s32 $0x800;
	v9 =	vld [tilespmem:s17+$0xF0];
	v12 =	vadd.s32 v11, v12;
	v11 =	vmpcnt.ones.xlane vm0;
	vm0 =	vge.f32 v13, v4  }
.LBB2_3:
0x2d: {  	p0 =	sne.s32 s16, $0x8800;
	v13 =	vld [tilespmem:s15+$0x0];
	v10 =	vadd.s32 v10, v12;
	v12 =	vmpcnt.ones.xlane vm0;
	vm0 =	vge.f32 v5, v4  }
0x2e: {  	v5 =	vld [tilespmem:s15+$0x10];
	v10 =	vadd.s32 v11, v10;
	v11 =	vmpcnt.ones.xlane vm0;
	vm0 =	vge.f32 v6, v4  }
0x2f: {  	v6 =	vld [tilespmem:s15+$0x20];
	v10 =	vadd.s32 v12, v10;
	v12 =	vmpcnt.ones.xlane vm0;
	vm0 =	vge.f32 v7, v4  }
0x30: {  	v7 =	vld [tilespmem:s15+$0x30];
	v10 =	vadd.s32 v11, v10;
	v11 =	vmpcnt.ones.xlane vm0;
	vm0 =	vge.f32 v8, v4  }
0x31: {  	v8 =	vld [tilespmem:s15+$0x40];
	v10 =	vadd.s32 v12, v10;
	v12 =	vmpcnt.ones.xlane vm0;
	vm0 =	vge.f32 v9, v4  }
0x32: {  	vm1 =	vge.f32 v13, v4;
	v9 =	vld [tilespmem:s15+$0x50];
	v10 =	vadd.s32 v11, v10;
	v11 =	vmpcnt.ones.xlane vm0  }
0x33: {  	v13 =	vmpcnt.ones.xlane vm1;
	vm0 =	vge.f32 v5, v4;
	v5 =	vld [tilespmem:s15+$0x60];
	v10 =	vadd.s32 v12, v10  }
0x34: {  	v12 =	vmpcnt.ones.xlane vm0;
	vm0 =	vge.f32 v6, v4;
	v6 =	vld [tilespmem:s15+$0x70];
	v10 =	vadd.s32 v11, v10  }
0x35: {  	v10 =	vadd.s32 v10, v13;
	v11 =	vmpcnt.ones.xlane vm0;
	vm0 =	vge.f32 v7, v4;
	v7 =	vld [tilespmem:s15+$0x80]  }
0x36: {  	v10 =	vadd.s32 v12, v10;
	v12 =	vmpcnt.ones.xlane vm0;
	vm0 =	vge.f32 v8, v4;
	v8 =	vld [tilespmem:s15+$0x90]  }
0x37: {  	v10 =	vadd.s32 v11, v10;
	v11 =	vmpcnt.ones.xlane vm0;
	vm0 =	vge.f32 v9, v4;
	v9 =	vld [tilespmem:s15+$0xA0]  }
.Ltmp0:
0x38: {  	v10 =	vadd.s32 v12, v10;
	v12 =	vmpcnt.ones.xlane vm0;
	vm0 =	vge.f32 v5, v4;
	v5 =	vld [tilespmem:s15+$0xB0];
	(pc) =	sbr.rel @p0 .LBB2_3-.Ltmp0, $4  }
0x39: {  	v10 =	vadd.s32 v11, v10;
	v11 =	vmpcnt.ones.xlane vm0;
	vm0 =	vge.f32 v6, v4;
	v6 =	vld [tilespmem:s15+$0xC0]  }
0x3a: {  	v10 =	vadd.s32 v12, v10;
	v12 =	vmpcnt.ones.xlane vm0;
	vm0 =	vge.f32 v7, v4;
	v7 =	vld [tilespmem:s15+$0xD0]  }
0x3b: {  	v11 =	vadd.s32 v11, v10;
	v10 =	vmpcnt.ones.xlane vm0;
	vm0 =	vge.f32 v8, v4;
	v8 =	vld [tilespmem:s15+$0xE0]  }
0x3c: {  	v12 =	vadd.s32 v12, v11;
	v11 =	vmpcnt.ones.xlane vm0;
	vm0 =	vge.f32 v9, v4;
	v9 =	vld [tilespmem:s15+$0xF0];
	s15 =	sshra.s32 s16, $0x2;
	s16 =	sadd.s32 $0x400, s16  }
0x3d: {  	v13 =	vld [tilespmem:s15+$0x0];
	v10 =	vadd.s32 v10, v12;
	v33 =	vmpcnt.ones.xlane vm0;
	vm7 =	vge.f32 v5, v4  }
0x3e: {  	v5 =	vld [tilespmem:s15+$0x10];
	v10 =	vadd.s32 v11, v10;
	v34 =	vmpcnt.ones.xlane vm7;
	vm8 =	vge.f32 v6, v4  }
0x3f: {  	v35 =	vld [tilespmem:s15+$0x20];
	v10 =	vadd.s32 v33, v10;
	v36 =	vmpcnt.ones.xlane vm8;
	vm9 =	vge.f32 v7, v4  }
0x40: {  	v37 =	vld [tilespmem:s15+$0x30];
	v10 =	vadd.s32 v34, v10;
	v38 =	vmpcnt.ones.xlane vm9;
	vm10 =	vge.f32 v8, v4  }
0x41: {  	v39 =	vld [tilespmem:s15+$0x40];
	v10 =	vadd.s32 v36, v10;
	v40 =	vmpcnt.ones.xlane vm10;
	vm11 =	vge.f32 v9, v4  }
0x42: {  	v41 =	vld [tilespmem:s15+$0x50];
	vm1 =	vge.f32 v13, v4;
	v10 =	vadd.s32 v38, v10;
	v42 =	vmpcnt.ones.xlane vm11  }
0x43: {  	vm12 =	vge.f32 v5, v4;
	v5 =	vld [tilespmem:s15+$0x60];
	v13 =	vmpcnt.ones.xlane vm1;
	v10 =	vadd.s32 v40, v10  }
0x44: {  	v44 =	vld [tilespmem:s15+$0x70];
	vm13 =	vge.f32 v35, v4;
	v43 =	vmpcnt.ones.xlane vm12;
	v10 =	vadd.s32 v42, v10  }
0x45: {  	v46 =	vld [tilespmem:s15+$0x80];
	vm14 =	vge.f32 v37, v4;
	v45 =	vmpcnt.ones.xlane vm13;
	v10 =	vadd.s32 v10, v13  }
0x46: {  	v48 =	vld [tilespmem:s15+$0x90];
	vm15 =	vge.f32 v39, v4;
	v47 =	vmpcnt.ones.xlane vm14;
	v10 =	vadd.s32 v43, v10  }
0x47: {  	v50 =	vld [tilespmem:s15+$0xA0];
	vm4 =	vge.f32 v41, v4;
	v49 =	vmpcnt.ones.xlane vm15;
	v10 =	vadd.s32 v45, v10  }
0x48: {  	v51 =	vmpcnt.ones.xlane vm4;
	vm5 =	vge.f32 v5, v4;
	v5 =	vld [tilespmem:s15+$0xB0];
	v10 =	vadd.s32 v47, v10  }
0x49: {  	v53 =	vld [tilespmem:s15+$0xC0];
	vm6 =	vge.f32 v44, v4;
	v52 =	vmpcnt.ones.xlane vm5;
	v10 =	vadd.s32 v49, v10  }
0x4a: {  	v55 =	vld [tilespmem:s15+$0xD0];
	vm7 =	vge.f32 v46, v4;
	v54 =	vmpcnt.ones.xlane vm6;
	v10 =	vadd.s32 v51, v10  }
0x4b: {  	v57 =	vld [tilespmem:s15+$0xE0];
	vm8 =	vge.f32 v48, v4;
	v56 =	vmpcnt.ones.xlane vm7;
	v10 =	vadd.s32 v52, v10  }
0x4c: {  	v59 =	vld [tilespmem:s15+$0xF0];
	vm9 =	vge.f32 v50, v4;
	v58 =	vmpcnt.ones.xlane vm8;
	v10 =	vadd.s32 v54, v10  }
0x4d: {  	v60 =	vmpcnt.ones.xlane vm9;
	vm10 =	vge.f32 v5, v4;
	v10 =	vadd.s32 v56, v10  }
0x4e: {  	vm11 =	vge.f32 v53, v4;
	v61 =	vmpcnt.ones.xlane vm10;
	v5 =	vadd.s32 v58, v10  }
0x4f: {  	v6 =	vmpcnt.ones.xlane vm11;
	vm12 =	vge.f32 v55, v4;
	v5 =	vadd.s32 v60, v5  }
0x50: {  	s14 =	sadd.s32 $0x1, s14;
	vm13 =	vge.f32 v57, v4;
	v7 =	vmpcnt.ones.xlane vm12;
	v5 =	vadd.s32 v61, v5  }
0x51: {  	p0 =	sne.s32 s14, $0x1F;
	vm14 =	vge.f32 v59, v4;
	v62 =	vmpcnt.ones.xlane vm13;
	v5 =	vadd.s32 v6, v5  }
.Ltmp1:
0x52: {  	v63 =	vmpcnt.ones.xlane vm14;
	v5 =	vadd.s32 v7, v5;
	(pc) =	sbr.rel @p0 .LBB2_2-.Ltmp1, $4  }
0x53: {  	v5 =	vadd.s32 v62, v5  }
0x54: {  	v5 =	vadd.s32 v63, v5  }
0x55: {  	vm15 =	vlt.s32 v5, v1;
	v5 =	vadd.s32 $0xFFFFFFFF, v4  }
0x56: {  	v0 =	vsel vm15, v0, v4;
	v3 =	vsel vm15, v5, v3  }
0x57: {  	s14 =	simm.s32 $0x0  }
0x58: {  	v3 =	vld [tilespmem:s14+$0x0];
	_ =	sdelay $0x1  }
0x59: {  	v4 =	vld [tilespmem:s14+$0x10];
	_ =	sdelay $0x1  }
0x5a: {  	v5 =	vld [tilespmem:s14+$0x20]  }
0x5b: {  	vm4 =	vgt.f32 v3, v0  }
0x5c: {  	v6 =	vimm.f32 $0.0e+00;
	v7 =	vld [tilespmem:s14+$0x30];
	v3 =	vnsel vm4, $0x0, v3  }
0x5d: {  	v1 =	vld [tilespmem:s14+$0xF0];
	vm6 =	vgt.f32 v4, v0;
	v6 =	vadd.f32 v3, v6  }
0x5e: {  	v8 =	vld [tilespmem:s14+$0x40];
	v4 =	vnsel vm6, $0x0, v4  }
0x5f: {  	v2 =	vld [tilespmem:s14+$0xE0];
	vm7 =	vgt.f32 v5, v0;
	v4 =	vadd.f32 v4, v6  }
0x60: {  	v9 =	vld [tilespmem:s14+$0x50];
	v5 =	vnsel vm7, $0x0, v5  }
0x61: {  	v10 =	vld [tilespmem:s14+$0x60];
	vm8 =	vgt.f32 v7, v0;
	v4 =	vadd.f32 v5, v4  }
0x62: {  	v11 =	vld [tilespmem:s14+$0x70];
	v7 =	vnsel vm8, $0x0, v7  }
0x63: {  	v13 =	vld [tilespmem:s14+$0x80];
	vm9 =	vgt.f32 v8, v0;
	v4 =	vadd.f32 v7, v4  }
0x64: {  	v8 =	vnsel vm9, $0x0, v8  }
0x65: {  	v12 =	vimm.s32 $0x0;
	vm10 =	vgt.f32 v9, v0;
	v4 =	vadd.f32 v8, v4  }
0x66: {  	vm1 =	vgt.f32 v2, v0;
	vm0 =	vgt.f32 v1, v0;
	v9 =	vnsel vm10, $0x0, v9  }
0x67: {  	vm11 =	vgt.f32 v10, v0;
	vm12 =	vgt.f32 v11, v0;
	v4 =	vadd.f32 v9, v4  }
0x68: {  	vm15 =	vgt.f32 v13, v0;
	v51 =	vnsel vm11, $0x0, v10;
	v52 =	vmpcnt.ones.xlane vm4;
	v8 =	vld [tilespmem:s14+$0x90]  }
0x69: {  	v53 =	vnsel vm12, $0x0, v11;
	v54 =	vmpcnt.ones.xlane vm6;
	v3 =	vld [tilespmem:s14+$0xD0];
	v4 =	vadd.f32 v51, v4  }
0x6a: {  	v55 =	vmpcnt.ones.xlane vm7;
	v56 =	vnsel vm15, $0x0, v13;
	v57 =	vmpcnt.ones.xlane vm8;
	v7 =	vld [tilespmem:s14+$0xA0]  }
0x6b: {  	v58 =	vmpcnt.ones.xlane vm9;
	v59 =	vmpcnt.ones.xlane vm10;
	v6 =	vld [tilespmem:s14+$0xC0];
	v4 =	vadd.f32 v53, v4  }
0x6c: {  	v60 =	vmpcnt.ones.xlane vm11;
	v61 =	vmpcnt.ones.xlane vm12;
	v5 =	vld [tilespmem:s14+$0xB0];
	v9 =	vadd.s32 v12, v52  }
0x6d: {  	v9 =	vadd.s32 v54, v9;
	vm4 =	vgt.f32 v8, v0;
	v4 =	vadd.f32 v56, v4  }
0x6e: {  	vm2 =	vgt.f32 v3, v0;
	v9 =	vadd.s32 v55, v9;
	v8 =	vnsel vm4, $0x0, v8  }
0x6f: {  	vm13 =	vgt.f32 v7, v0;
	v9 =	vadd.s32 v57, v9;
	v4 =	vadd.f32 v8, v4  }
0x70: {  	vm3 =	vgt.f32 v6, v0;
	v7 =	vnsel vm13, $0x0, v7;
	v8 =	vadd.s32 v58, v9  }
0x71: {  	vm5 =	vgt.f32 v5, v0;
	v8 =	vadd.s32 v59, v8;
	v4 =	vadd.f32 v7, v4  }
0x72: {  	v5 =	vnsel vm5, $0x0, v5;
	v7 =	vadd.s32 v60, v8;
	v8 =	vmpcnt.ones.xlane vm15  }
0x73: {  	v62 =	vmpcnt.ones.xlane vm4;
	v7 =	vadd.s32 v61, v7;
	v63 =	vadd.f32 v5, v4  }
0x74: {  	v5 =	vadd.s32 v8, v7;
	v4 =	vmpcnt.ones.xlane vm13;
	v7 =	vnsel vm3, $0x0, v6  }
0x75: {  	s15 =	simm.s32 $0x800;
	s14 =	simm.s32 $0x100;
	v6 =	vadd.s32 v62, v5;
	v5 =	vmpcnt.ones.xlane vm5;
	v7 =	vadd.f32 v7, v63  }
.LBB2_6:
0x76: {  	p0 =	sne.s32 s15, $0x8800;
	v8 =	vld [tilespmem:s14+$0x0];
	v4 =	vadd.s32 v4, v6;
	v6 =	vmpcnt.ones.xlane vm3;
	v3 =	vnsel vm2, $0x0, v3  }
0x77: {  	v4 =	vadd.s32 v5, v4;
	v3 =	vadd.f32 v3, v7;
	v5 =	vmpcnt.ones.xlane vm2  }
0x78: {  	v2 =	vnsel vm1, $0x0, v2;
	v7 =	vld [tilespmem:s14+$0x10];
	v4 =	vadd.s32 v6, v4;
	v6 =	vmpcnt.ones.xlane vm1  }
0x79: {  	v9 =	vld [tilespmem:s14+$0xF0];
	v4 =	vadd.s32 v5, v4;
	v3 =	vadd.f32 v2, v3;
	v5 =	vmpcnt.ones.xlane vm0  }
0x7a: {  	v1 =	vnsel vm0, $0x0, v1;
	v10 =	vld [tilespmem:s14+$0x20];
	v4 =	vadd.s32 v6, v4  }
0x7b: {  	vm4 =	vgt.f32 v8, v0;
	v2 =	vld [tilespmem:s14+$0xE0];
	v11 =	vadd.f32 v1, v3;
	v4 =	vadd.s32 v5, v4  }
0x7c: {  	v3 =	vnsel vm4, $0x0, v8;
	v5 =	vld [tilespmem:s14+$0x30]  }
0x7d: {  	v6 =	vadd.f32 v3, v11;
	vm6 =	vgt.f32 v7, v0;
	v3 =	vld [tilespmem:s14+$0xD0]  }
0x7e: {  	v7 =	vnsel vm6, $0x0, v7;
	v8 =	vld [tilespmem:s14+$0x40];
	v1 =	vmov v9  }
0x7f: {  	v6 =	vadd.f32 v7, v6;
	vm7 =	vgt.f32 v10, v0;
	v7 =	vld [tilespmem:s14+$0xC0]  }
0x80: {  	v9 =	vnsel vm7, $0x0, v10;
	v10 =	vld [tilespmem:s14+$0x50]  }
0x81: {  	v6 =	vadd.f32 v9, v6;
	vm8 =	vgt.f32 v5, v0;
	v9 =	vld [tilespmem:s14+$0xB0]  }
0x82: {  	v5 =	vnsel vm8, $0x0, v5;
	v11 =	vld [tilespmem:s14+$0x60]  }
0x83: {  	v5 =	vadd.f32 v5, v6;
	vm9 =	vgt.f32 v8, v0;
	v6 =	vld [tilespmem:s14+$0xA0]  }
0x84: {  	v8 =	vnsel vm9, $0x0, v8;
	v12 =	vld [tilespmem:s14+$0x70]  }
0x85: {  	v5 =	vadd.f32 v8, v5;
	vm11 =	vgt.f32 v10, v0;
	v8 =	vld [tilespmem:s14+$0x90]  }
0x86: {  	vm0 =	vgt.f32 v1, v0;
	vm1 =	vgt.f32 v2, v0;
	v10 =	vnsel vm11, $0x0, v10;
	v13 =	vld [tilespmem:s14+$0x80]  }
0x87: {  	vm2 =	vgt.f32 v3, v0;
	v5 =	vadd.f32 v10, v5;
	vm12 =	vgt.f32 v11, v0  }
0x88: {  	vm3 =	vgt.f32 v7, v0;
	vm5 =	vgt.f32 v9, v0;
	v10 =	vnsel vm12, $0x0, v11  }
0x89: {  	vm10 =	vgt.f32 v6, v0;
	v5 =	vadd.f32 v10, v5;
	vm13 =	vgt.f32 v12, v0  }
0x8a: {  	v10 =	vmpcnt.ones.xlane vm4;
	v11 =	vnsel vm13, $0x0, v12;
	vm4 =	vgt.f32 v8, v0  }
0x8b: {  	v12 =	vmpcnt.ones.xlane vm6;
	v5 =	vadd.f32 v11, v5;
	vm6 =	vgt.f32 v13, v0  }
0x8c: {  	v4 =	vadd.s32 v4, v10;
	v10 =	vmpcnt.ones.xlane vm7;
	v11 =	vnsel vm6, $0x0, v13  }
0x8d: {  	v4 =	vadd.s32 v12, v4;
	v12 =	vmpcnt.ones.xlane vm8;
	v5 =	vadd.f32 v11, v5  }
0x8e: {  	v8 =	vnsel vm4, $0x0, v8;
	v4 =	vadd.s32 v10, v4;
	v10 =	vmpcnt.ones.xlane vm9  }
0x8f: {  	v11 =	vmpcnt.ones.xlane vm11;
	v4 =	vadd.s32 v12, v4;
	v5 =	vadd.f32 v8, v5  }
0x90: {  	v6 =	vnsel vm10, $0x0, v6;
	v4 =	vadd.s32 v10, v4;
	v8 =	vmpcnt.ones.xlane vm12  }
.Ltmp2:
0x91: {  	v10 =	vmpcnt.ones.xlane vm13;
	v4 =	vadd.s32 v11, v4;
	v5 =	vadd.f32 v6, v5;
	(pc) =	sbr.rel @p0 .LBB2_6-.Ltmp2, $4  }
0x92: {  	v4 =	vadd.s32 v8, v4;
	v6 =	vmpcnt.ones.xlane vm6;
	v8 =	vnsel vm5, $0x0, v9  }
0x93: {  	v9 =	vmpcnt.ones.xlane vm4;
	v4 =	vadd.s32 v10, v4;
	v8 =	vadd.f32 v8, v5  }
0x94: {  	v7 =	vnsel vm3, $0x0, v7;
	v5 =	vadd.s32 v6, v4;
	v4 =	vmpcnt.ones.xlane vm10  }
0x95: {  	s14 =	sshra.s32 s15, $0x2;
	s15 =	sadd.s32 $0x400, s15;
	v6 =	vadd.s32 v9, v5;
	v5 =	vmpcnt.ones.xlane vm5;
	v7 =	vadd.f32 v7, v8  }
0x96: {  	v8 =	vld [tilespmem:s14+$0x0];
	v3 =	vnsel vm2, $0x0, v3  }
0x97: {  	v3 =	vadd.f32 v3, v7  }
0x98: {  	v16 =	vld [tilespmem:s14+$0x10];
	v2 =	vnsel vm1, $0x0, v2  }
0x99: {  	v2 =	vadd.f32 v2, v3  }
0x9a: {  	v17 =	vld [tilespmem:s14+$0x20];
	v1 =	vnsel vm0, $0x0, v1  }
0x9b: {  	vm4 =	vgt.f32 v8, v0;
	v1 =	vadd.f32 v1, v2  }
0x9c: {  	v19 =	vld [tilespmem:s14+$0x30];
	v18 =	vnsel vm4, $0x0, v8  }
0x9d: {  	vm13 =	vgt.f32 v16, v0;
	v1 =	vadd.f32 v18, v1  }
0x9e: {  	v22 =	vld [tilespmem:s14+$0x40];
	v21 =	vnsel vm13, $0x0, v16  }
0x9f: {  	vm14 =	vgt.f32 v17, v0;
	v1 =	vadd.f32 v21, v1  }
0xa0: {  	v25 =	vld [tilespmem:s14+$0x50];
	v24 =	vnsel vm14, $0x0, v17  }
0xa1: {  	vm15 =	vgt.f32 v19, v0;
	v1 =	vadd.f32 v24, v1  }
0xa2: {  	v28 =	vld [tilespmem:s14+$0x60];
	v27 =	vnsel vm15, $0x0, v19  }
0xa3: {  	vm8 =	vgt.f32 v22, v0;
	v1 =	vadd.f32 v27, v1  }
0xa4: {  	v30 =	vld [tilespmem:s14+$0x70];
	v29 =	vnsel vm8, $0x0, v22  }
0xa5: {  	vm9 =	vgt.f32 v25, v0;
	v1 =	vadd.f32 v29, v1  }
0xa6: {  	v32 =	vld [tilespmem:s14+$0x80];
	v31 =	vnsel vm9, $0x0, v25  }
0xa7: {  	vm10 =	vgt.f32 v28, v0;
	v1 =	vadd.f32 v31, v1  }
0xa8: {  	v33 =	vld [tilespmem:s14+$0x90];
	v8 =	vnsel vm10, $0x0, v28  }
0xa9: {  	v20 =	vimm.s32 $0x0;
	vm11 =	vgt.f32 v30, v0;
	v1 =	vadd.f32 v8, v1  }
0xaa: {  	v23 =	vimm.s32 $0x0;
	v34 =	vld [tilespmem:s14+$0xA0];
	v2 =	vsel vm13, $0xFFFFFFFF, v20;
	v7 =	vnsel vm11, $0x0, v30  }
0xab: {  	[tilespmem:$0x1FFD0] =	vst v2;
	v2 =	vsel vm14, $0xFFFFFFFF, v23;
	vm14 =	vgt.f32 v32, v0;
	v1 =	vadd.f32 v7, v1  }
0xac: {  	v26 =	vimm.s32 $0x0;
	v35 =	vld [tilespmem:s14+$0xB0];
	v3 =	vnsel vm14, $0x0, v32  }
0xad: {  	vm13 =	vgt.f32 v33, v0;
	[tilespmem:$0x1FFE0] =	vst v2;
	v2 =	vsel vm15, $0xFFFFFFFF, v26;
	v1 =	vadd.f32 v3, v1  }
0xae: {  	v36 =	vld [tilespmem:s14+$0xC0];
	[tilespmem:$0x1FFF0] =	vst v2;
	v2 =	vnsel vm13, $0x0, v33  }
0xaf: {  	vm12 =	vgt.f32 v34, v0;
	v1 =	vadd.f32 v2, v1  }
0xb0: {  	v37 =	vld [tilespmem:s14+$0xD0];
	v8 =	vnsel vm12, $0x0, v34  }
0xb1: {  	vm7 =	vgt.f32 v35, v0;
	v1 =	vadd.f32 v8, v1  }
0xb2: {  	v38 =	vld [tilespmem:s14+$0xE0];
	v7 =	vnsel vm7, $0x0, v35  }
0xb3: {  	vm5 =	vgt.f32 v36, v0;
	v1 =	vadd.f32 v7, v1  }
0xb4: {  	v9 =	vimm.s32 $0x0;
	v39 =	vld [tilespmem:s14+$0xF0];
	v3 =	vnsel vm5, $0x0, v36  }
0xb5: {  	v9 =	vsel vm4, $0xFFFFFFFF, v9;
	vm4 =	vgt.f32 v37, v0;
	v1 =	vadd.f32 v3, v1  }
0xb6: {  	v2 =	vnsel vm4, $0x0, v37  }
0xb7: {  	vm6 =	vgt.f32 v38, v0;
	v1 =	vadd.f32 v2, v1  }
0xb8: {  	v40 =	vnsel vm6, $0x0, v38  }
0xb9: {  	vm15 =	vgt.f32 v39, v0;
	v1 =	vadd.f32 v40, v1  }
0xba: {  	v41 =	vnsel vm15, $0x0, v39  }
0xbb: {  	v1 =	vadd.f32 v41, v1  }
0xbc: {  	[tilespmem:$0x1FFC0] =	vst v9  }
0xbd: {  	v47 =	vld [tilespmem:$0x1FFC0];
	(v2sf) =	vpush v1, $0x0  }
0xbe: {  	(v2sf) =	vpush v1, $0x1  }
0xbf: {  	v48 =	vld [tilespmem:$0x1FFD0]  }
0xc0: {  	v42 =	vmpcnt.ones.xlane vm3;
	(v2sf) =	vpush v1, $0x2  }
0xc1: {  	v43 =	vadd.s32 v4, v6;
	v44 =	vmpcnt.ones.xlane vm2;
	v46 =	vmpcnt.ones.xlane vm0;
	v49 =	vld [tilespmem:$0x1FFE0]  }
0xc2: {  	v50 =	vld [tilespmem:$0x1FFF0];
	vm0 =	vnez.u8 v47;
	v3 =	vadd.s32 v5, v43;
	(v2sf) =	vpush v1, $0x3  }
0xc3: {  	v45 =	vmpcnt.ones.xlane vm1;
	v4 =	vmpcnt.ones.xlane vm0;
	v2 =	vadd.s32 v42, v3  }
0xc4: {  	vm0 =	vnez.u8 v48;
	v2 =	vadd.s32 v44, v2;
	(v2sf) =	vpush v1, $0x4  }
0xc5: {  	v5 =	vmpcnt.ones.xlane vm0;
	v2 =	vadd.s32 v45, v2  }
0xc6: {  	vm0 =	vnez.u8 v49;
	v2 =	vadd.s32 v46, v2;
	(v2sf) =	vpush v1, $0x5  }
0xc7: {  	v3 =	vmpcnt.ones.xlane vm0;
	vm0 =	vnez.u8 v50;
	v2 =	vadd.s32 v2, v4  }
0xc8: {  	v4 =	vmpcnt.ones.xlane vm0;
	v2 =	vadd.s32 v5, v2;
	(v2sf) =	vpush v1, $0x6  }
0xc9: {  	v51 =	vmpcnt.ones.xlane vm8;
	v2 =	vadd.s32 v3, v2  }
0xca: {  	v52 =	vmpcnt.ones.xlane vm9;
	v2 =	vadd.s32 v4, v2;
	(v2sf) =	vpush v1, $0x7  }
0xcb: {  	v53 =	vmpcnt.ones.xlane vm10;
	v2 =	vadd.s32 v51, v2  }
0xcc: {  	v54 =	vmpcnt.ones.xlane vm11;
	v2 =	vadd.s32 v52, v2;
	s16 =	spop (v2sf);
	(v2sf) =	vpush v1, $0x8  }
0xcd: {  	v55 =	vmpcnt.ones.xlane vm14;
	v2 =	vadd.s32 v53, v2;
	s15 =	spop (v2sf)  }
0xce: {  	v56 =	vmpcnt.ones.xlane vm13;
	v2 =	vadd.s32 v54, v2;
	(v2sf) =	vpush v1, $0x9;
	s14 =	sadd.f32 s15, s16  }
0xcf: {  	v57 =	vmpcnt.ones.xlane vm12;
	v2 =	vadd.s32 v55, v2;
	s17 =	spop (v2sf)  }
0xd0: {  	v58 =	vmpcnt.ones.xlane vm7;
	v2 =	vadd.s32 v56, v2;
	(v2sf) =	vpush v1, $0xA;
	s14 =	sadd.f32 s14, s17  }
0xd1: {  	v59 =	vmpcnt.ones.xlane vm5;
	v2 =	vadd.s32 v57, v2;
	s18 =	spop (v2sf)  }
0xd2: {  	v60 =	vmpcnt.ones.xlane vm4;
	v2 =	vadd.s32 v58, v2;
	(v2sf) =	vpush v1, $0xB;
	s14 =	sadd.f32 s14, s18  }
0xd3: {  	v61 =	vmpcnt.ones.xlane vm6;
	v2 =	vadd.s32 v59, v2;
	s19 =	spop (v2sf);
	(v2sf) =	vpush v1, $0xC  }
0xd4: {  	v62 =	vmpcnt.ones.xlane vm15;
	v2 =	vadd.s32 v60, v2;
	(v2sf) =	vpush v1, $0xD;
	s14 =	sadd.f32 s14, s19  }
0xd5: {  	v2 =	vadd.s32 v61, v2;
	s20 =	spop (v2sf);
	(v2sf) =	vpush v1, $0xE  }
0xd6: {  	v2 =	vadd.s32 v62, v2;
	(v2sf) =	vpush v1, $0xF;
	s14 =	sadd.f32 s14, s20  }
0xd7: {  	s21 =	spop (v2sf);
	(v2sf) =	vpush v2, $0x0  }
0xd8: {  	s14 =	sadd.f32 s14, s21  }
0xd9: {  	s22 =	spop (v2sf)  }
0xda: {  	(v2sf) =	vpush v0, $0x0;
	s14 =	sadd.f32 s14, s22  }
0xdb: {  	s23 =	spop (v2sf)  }
0xdc: {  	s14 =	sadd.f32 s14, s23  }
0xdd: {  	s24 =	spop (v2sf)  }
0xde: {  	s14 =	sadd.f32 s14, s24  }
0xdf: {  	s25 =	spop (v2sf)  }
0xe0: {  	s14 =	sadd.f32 s14, s25  }
0xe1: {  	s26 =	spop (v2sf)  }
0xe2: {  	s16 =	spop (v2sf);
	s14 =	sadd.f32 s14, s26  }
0xe3: {  	s28 =	spop (v2sf)  }
0xe4: {  	s17 =	spop (v2sf);
	s14 =	sadd.f32 s14, s16  }
0xe5: {  	s29 =	spop (v2sf)  }
0xe6: {  	s30 =	spop (v2sf);
	s14 =	sadd.f32 s14, s28  }
0xe7: {  	s13 =	ssub.s32 s13, s30  }
0xe8: {  	s13 =	scvt.s32.f32 s13;
	s14 =	sadd.f32 s14, s17  }
0xe9: {  	s31 =	spop (v2sf)  }
0xea: {  	s13 =	smul.f32 s13, s31;
	s14 =	sadd.f32 s14, s29  }
0xeb: {  	_ = 	snop  }
0xec: {  	s13 =	sadd.f32 s14, s13  }
0xed: {  	s12 =	sadd.s32 $0x1, s12  }
0xee: {  	p0 =	sne.s32 s12, s6;
	v63 =	vmov s13  }
.Ltmp3:
0xef: {  	[tilespmem:$0x2380] =	vst v63;
	(pc) =	sbr.rel @p0 .LBB2_1-.Ltmp3, $4  }
0xf0: {  	[hbm4b:s5+s2] =	stream.linear.scatter [tilespmem:s11], [sflag:$0x1], $0x80, $0x38;
	[tilespmem:$0x2400] =	vst v63  }
0xf1: {  	_ =	swait.ge [sflag:s9], $0x80  }
0xf2: {  	[sflag:s9] =	ssyncset.done $0x0  }
0xf3: {  	[sflag:s9] =	ssyncadd.s32 $0xFFFFFF80  }
0xf4: {  	_ =	sfence.sel $0x180000  }
0xf5: {  	[bflag:$0x0] =	sbarrier.arrive $0xFFFF  }
0xf6: {  	p0 =	sne.s32 s1, $0x0;
	_ =	strace $0x90000047  }
0xf7: {  	s0 =	sadd.s32 @!p0 $0x100000, s0;
	[bflag:$0x2] =	sbarrier.arrive $0xFFFF  }
0xf8: {  	[sflag:s0] =	ssyncadd.tile.s32 @!p0 $0x1;
	_ =	shalt  }
.Lfunc_end2:
_tile_overlayer_lowered:
.L_overlay_start_2:
0xf9: {  	(tag) =	ssettag $0x2  }
0xfa: {  	s0 =	rddreg [dreg:$0x0];
	s2 =	stileid.u32  }
0xfb: {  	s1 =	rddreg [dreg:$0x1];
	p0 =	sne.s32 s2, $0x0  }
0xfc: {  	s3 =	rddreg [dreg:$0x2];
	[bflag:$0x3] =	sbarrier.arrive $0xFFFF;
	s2 =	simm.s32 @!p0 $0x1C01  }
0xfd: {  	[timem:s3], [sflag:s2] =	dma.local @!p0 [hbm:s0], s1  }
0xfe: {  	s0 =	simm.s32 @!p0 $0x1  }
0xff: {  	_ =	swait.ge @!p0 [sflag:s0], s1  }
0x100: {  	s1 =	ssub.s32 @!p0 $0x0, s1;
	[sflag:s0] =	ssyncset.done @!p0 $0x0  }
0x101: {  	[sflag:s0] =	ssyncadd.s32 @!p0 s1  }
0x102: {  	[bflag:$0x3] =	sbarrier.arrive $0xFFFF  }
0x103: {  	_ =	shalt  }

</sc_bundles>
